<compile_context>
chip_gen: v7x
topology: tpu7x:2x2x1
jax: 0.10.2.dev20260603
libtpu: 0.0.44.dev20260713+nightly
codegen_flags: <defaults>
</compile_context>

<pallas_src>
import functools

import jax
import jax.numpy as jnp
from jax import lax
from jax.experimental import pallas as pl
from jax.experimental.pallas import tpu as pltpu
from jax.experimental.pallas import tpu_sc as plsc

N_NODES = 100000
NUM_GAUSS = 32
SH_DIM = 9
STOP = 5.0

_NPAD = 100352
_EDGE_BLK = 512

_NTILES = 32
_GCH = 10000


_ZCH = _NPAD // 16
_RB = 24


def _sc_scatter_body(srcR, dstR, subR, svalsR, ones_hbm,
                     a0, a1, b0, b1, imap,
                     zbuf, ebuf, ebuf2, vbuf, ones_v,
                     sha, shb, shm, sem):
    c = lax.axis_index("c")
    s = lax.axis_index("s")
    nsub_rows = subR.shape[0]

    pltpu.sync_copy(ones_hbm, ones_v)

    def zfill(k, carry):
        zbuf[pl.ds(k * 16, 16)] = jnp.zeros((16,), jnp.int32)
        return carry

    lax.fori_loop(0, _ZCH // 16, zfill, 0, unroll=8)
    sl = pl.ds(s * _ZCH, _ZCH)
    pltpu.sync_copy(zbuf, sha.at[sl])
    pltpu.sync_copy(zbuf, shb.at[sl])

    def mfill(k, carry):
        zbuf[pl.ds(k * 16, 16)] = jnp.full((16,), -1, jnp.int32)
        return carry

    lax.fori_loop(0, _ZCH // 16, mfill, 0, unroll=8)

    @pl.when(c == 0)
    def _():
        pltpu.sync_copy(zbuf, shm.at[sl])

    plsc.subcore_barrier()

    wid = s * 2 + c
    nrows_tot = srcR.shape[0]
    nchunks = nrows_tot // _RB
    ntail = nrows_tot - nchunks * _RB

    def do_chunk(k, carry):
        cid = wid + k * 32

        @pl.when(cid < nchunks)
        def _():
            r0 = cid * _RB
            pltpu.sync_copy(srcR.at[pl.ds(r0, _RB)], ebuf)
            pltpu.sync_copy(dstR.at[pl.ds(r0, _RB)], ebuf2)

            def fire(j, c2):
                pltpu.async_copy(ones_v, sha.at[ebuf.at[j]], sem)
                pltpu.async_copy(ones_v, shb.at[ebuf2.at[j]], sem)
                return c2

            lax.fori_loop(0, _RB, fire, 0)

            def drain(j, c2):
                pltpu.make_async_copy(ones_v, sha.at[ebuf.at[j]], sem).wait()
                pltpu.make_async_copy(ones_v, shb.at[ebuf2.at[j]], sem).wait()
                return c2

            lax.fori_loop(0, _RB, drain, 0)

        return carry

    lax.fori_loop(0, pl.cdiv(nchunks, 32), do_chunk, 0)

    @pl.when(wid < ntail)
    def _():
        r = nchunks * _RB + wid
        pltpu.sync_copy(srcR.at[pl.ds(r, 1)], ebuf.at[pl.ds(0, 1)])
        pltpu.sync_copy(dstR.at[pl.ds(r, 1)], ebuf2.at[pl.ds(0, 1)])
        pltpu.sync_copy(ones_v, sha.at[ebuf.at[0]])
        pltpu.sync_copy(ones_v, shb.at[ebuf2.at[0]])

    nsub_per = pl.cdiv(nsub_rows, 16)

    @pl.when(c == 0)
    def _():
        r0 = s * nsub_per
        nr = jnp.minimum(nsub_rows - r0, nsub_per)

        @pl.when(nr > 0)
        def _():
            def mrow(t, carry):
                r = r0 + t
                pltpu.sync_copy(subR.at[pl.ds(r, 1)], ebuf.at[pl.ds(0, 1)])
                pltpu.sync_copy(svalsR.at[pl.ds(r, 1)], vbuf)
                pltpu.sync_copy(vbuf.at[0], shm.at[ebuf.at[0]])
                return carry

            lax.fori_loop(0, nr, mrow, 0)

    plsc.subcore_barrier()

    @pl.when(c == 0)
    def _():
        pltpu.sync_copy(sha.at[sl], a0.at[sl])
        pltpu.sync_copy(shb.at[sl], b0.at[sl])
        pltpu.sync_copy(shm.at[sl], imap.at[sl])

    @pl.when(c == 1)
    def _():
        pltpu.sync_copy(sha.at[sl], a1.at[sl])
        pltpu.sync_copy(shb.at[sl], b1.at[sl])


def _sc_scatter(src, dst, sub_nodes, n_sub_pad):
    E = src.shape[0]
    rows = E // 128
    srcR = src.reshape(rows, 128)
    dstR = dst.reshape(rows, 128)
    sub_pad = jnp.concatenate(
        [sub_nodes, jnp.full((n_sub_pad - sub_nodes.shape[0],), _NPAD - 1,
                             jnp.int32)])
    subR = sub_pad.reshape(n_sub_pad // 128, 128)
    svalsR = jnp.arange(n_sub_pad, dtype=jnp.int32).reshape(
        n_sub_pad // 128, 128)
    ones = jnp.ones((128,), jnp.int32)

    mesh = plsc.VectorSubcoreMesh(core_axis_name="c", subcore_axis_name="s")
    out_t = [jax.ShapeDtypeStruct((_NPAD,), jnp.int32)] * 5
    f = pl.kernel(
        _sc_scatter_body,
        out_type=out_t,
        mesh=mesh,
        scratch_types=[
            pltpu.VMEM((_ZCH,), jnp.int32),
            pltpu.VMEM((_RB, 128), jnp.int32),
            pltpu.VMEM((_RB, 128), jnp.int32),
            pltpu.VMEM((1, 128), jnp.int32),
            pltpu.VMEM((128,), jnp.int32),
            pltpu.VMEM_SHARED((_NPAD,), jnp.int32),
            pltpu.VMEM_SHARED((_NPAD,), jnp.int32),
            pltpu.VMEM_SHARED((_NPAD,), jnp.int32),
            pltpu.SemaphoreType.DMA,
        ],
        compiler_params=pltpu.CompilerParams(needs_layout_passes=False),
    )
    return f(srcR, dstR, subR, svalsR, ones)


def _tc_rank_body(a0, a1, b0, b1, arank_ref, brank_ref):
    R = a0.shape[0]
    af = ((a0[:, :] + a1[:, :]) > 0).astype(jnp.float32)
    bf = ((b0[:, :] + b1[:, :]) > 0).astype(jnp.float32)

    r128 = lax.broadcasted_iota(jnp.int32, (128, 128), 0)
    c128 = lax.broadcasted_iota(jnp.int32, (128, 128), 1)
    U = (r128 <= c128).astype(jnp.float32)

    rR = lax.broadcasted_iota(jnp.int32, (R, R), 0)
    cR = lax.broadcasted_iota(jnp.int32, (R, R), 1)
    L = (rR > cR).astype(jnp.float32)

    rca = jnp.dot(af, U, preferred_element_type=jnp.float32)
    rcb = jnp.dot(bf, U, preferred_element_type=jnp.float32)
    rsa = rca[:, 127:128]
    rsb = rcb[:, 127:128]
    offa = jnp.dot(L, rsa, preferred_element_type=jnp.float32)
    offb = jnp.dot(L, rsb, preferred_element_type=jnp.float32)

    na = (offa[R - 1:R, :] + rsa[R - 1:R, :]).astype(jnp.int32)

    arank_ref[:, :] = (rca + offa).astype(jnp.int32) - 1
    brank_ref[:, :] = (rcb + offb).astype(jnp.int32) - 1 + na


def _tc_ranks(a0, a1, b0, b1):
    R = _NPAD // 128
    shp = jax.ShapeDtypeStruct((R, 128), jnp.int32)
    arank, brank = pl.pallas_call(
        _tc_rank_body,
        out_shape=[shp, shp],
    )(a0.reshape(R, 128), a1.reshape(R, 128),
      b0.reshape(R, 128), b1.reshape(R, 128))
    return arank.reshape(_NPAD), brank.reshape(_NPAD)


def _sc_gather_body(imap_hbm, arank_hbm, brank_hbm, src_hbm, dst_hbm,
                    gsrc_hbm, gdst_hbm, ra_hbm, rb_hbm,
                    table_v, idx_v, out_v):
    E = src_hbm.shape[0]
    epw = E // _NTILES
    wid = lax.axis_index("s") * 2 + lax.axis_index("c")
    base = wid * epw
    nch = epw // _GCH

    def one_pass(table_hbm, eidx_hbm, out_hbm):
        pltpu.sync_copy(table_hbm, table_v)

        def chunk(j, carry):
            off = base + j * _GCH
            pltpu.sync_copy(eidx_hbm.at[pl.ds(off, _GCH)], idx_v)

            def inner(i, c2):
                iv = idx_v[pl.ds(i * 16, 16)]
                out_v[pl.ds(i * 16, 16)] = plsc.load_gather(table_v, [iv])
                return c2

            lax.fori_loop(0, _GCH // 16, inner, 0, unroll=8)
            pltpu.sync_copy(out_v, out_hbm.at[pl.ds(off, _GCH)])
            return carry

        lax.fori_loop(0, nch, chunk, 0)

    one_pass(imap_hbm, src_hbm, gsrc_hbm)
    one_pass(imap_hbm, dst_hbm, gdst_hbm)
    one_pass(arank_hbm, src_hbm, ra_hbm)
    one_pass(brank_hbm, dst_hbm, rb_hbm)


def _sc_gather(imap, arank, brank, src, dst):
    E = src.shape[0]
    mesh = plsc.VectorSubcoreMesh(core_axis_name="c", subcore_axis_name="s")
    out_t = [jax.ShapeDtypeStruct((E,), jnp.int32)] * 4
    f = pl.kernel(
        _sc_gather_body,
        out_type=out_t,
        mesh=mesh,
        scratch_types=[
            pltpu.VMEM((_NPAD,), jnp.int32),
            pltpu.VMEM((_GCH,), jnp.int32),
            pltpu.VMEM((_GCH,), jnp.int32),
        ],
        compiler_params=pltpu.CompilerParams(needs_layout_passes=False),
    )
    return f(imap, arank, brank, src, dst)


_MASKED_DIST = 1.0e9


def _emask_body(dist_ref, gs_ref, gd_ref, es_ref, ed_ref, md_ref):
    gs = gs_ref[:, :]
    gd = gd_ref[:, :]
    mask = (gs >= 0) & (gd >= 0)
    neg1 = jnp.full(gs.shape, -1, jnp.int32)
    es_ref[:, :] = jnp.where(mask, gs, neg1)
    ed_ref[:, :] = jnp.where(mask, gd, neg1)
    md_ref[:, :] = jnp.where(mask, dist_ref[:, :],
                             jnp.full(gs.shape, _MASKED_DIST, jnp.float32))


def _edge_mask_stage(dist, gsrc, gdst):
    E = dist.shape[0]
    R = E // 128
    RB = 256
    blk = pl.BlockSpec((RB, 128), lambda i: (i, 0))
    es, ed, md = pl.pallas_call(
        _emask_body,
        grid=(pl.cdiv(R, RB),),
        in_specs=[blk, blk, blk],
        out_specs=[blk, blk, blk],
        out_shape=[
            jax.ShapeDtypeStruct((R, 128), jnp.int32),
            jax.ShapeDtypeStruct((R, 128), jnp.int32),
            jax.ShapeDtypeStruct((R, 128), jnp.float32),
        ],
    )(dist.reshape(R, 128), gsrc.reshape(R, 128), gdst.reshape(R, 128))
    return es.reshape(E), ed.reshape(E), md


def _edge_body(md_ref, sh_ref, s1_ref, h_ref, out_ref):
    B = s1_ref.shape[0]
    M = md_ref[:, :]
    Mb = lax.dot(s1_ref[:, :], M, precision=lax.Precision.HIGHEST,
                 preferred_element_type=jnp.float32)
    dm = lax.dot(Mb * h_ref[:, :], jnp.ones((128, 1), jnp.float32),
                 precision=lax.Precision.HIGHEST,
                 preferred_element_type=jnp.float32)
    mf = (dm < 1.0e8).astype(jnp.float32)

    step = STOP / (NUM_GAUSS - 1)
    offset = jax.lax.broadcasted_iota(
        jnp.int32, (1, NUM_GAUSS), 1).astype(jnp.float32) * step
    coeff = -0.5 / (step * step)
    t = dm - offset
    ea = jnp.exp(coeff * t * t)
    shm = sh_ref[:, :] * mf
    out_ref[:, :] = jnp.concatenate([ea, shm], axis=1)


def _edge_stage(md, sh):
    E = sh.shape[0]
    B = 2048
    RB = B // 128
    grid = (pl.cdiv(E, B),)
    e = jnp.arange(B, dtype=jnp.int32)
    s1 = (e[:, None] // 128 == jnp.arange(RB, dtype=jnp.int32)[None, :]
          ).astype(jnp.float32)
    h = (e[:, None] % 128 == jnp.arange(128, dtype=jnp.int32)[None, :]
         ).astype(jnp.float32)
    out, = pl.pallas_call(
        _edge_body,
        grid=grid,
        in_specs=[
            pl.BlockSpec((RB, 128), lambda i: (i, 0)),
            pl.BlockSpec((B, SH_DIM), lambda i: (i, 0)),
            pl.BlockSpec((B, RB), lambda i: (0, 0)),
            pl.BlockSpec((B, 128), lambda i: (0, 0)),
        ],
        out_specs=[
            pl.BlockSpec((B, NUM_GAUSS + SH_DIM), lambda i: (i, 0)),
        ],
        out_shape=[
            jax.ShapeDtypeStruct((E, NUM_GAUSS + SH_DIM), jnp.float32),
        ],
    )(md, sh, s1, h)
    return out


def kernel(dist, sh, edge_index, sub_nodes):
    E = dist.shape[0]
    n_sub = sub_nodes.shape[0]
    src = edge_index[0]
    dst = edge_index[1]

    n_sub_pad = ((n_sub + 127) // 128) * 128
    a0, a1, b0, b1, idx_map = _sc_scatter(src, dst, sub_nodes, n_sub_pad)
    a_rank, b_rank = _tc_ranks(a0, a1, b0, b1)

    gsrc, gdst, ra, rb = _sc_gather(idx_map, a_rank, b_rank, src, dst)
    inter_ei = jnp.stack([ra, rb], axis=0)

    es, ed, md = _edge_mask_stage(dist, gsrc, gdst)
    out = _edge_stage(md, sh)
    sub_ei = jnp.stack([es, ed], axis=0)
    return out, sub_ei, inter_ei

# --- scband reference (transcript-rebuilt; emitter-appended) ---
"""Pipeline reference for scband-transform-2259152798135 (READ-ONLY COPY).

The authoritative reference and input builder live on the scoring server;
editing this copy changes nothing except your own understanding.
"""

import jax, jax.numpy as jnp
import numpy as np

N_NODES = 100000
N_EDGES = 1600000
N_SUB = 50000
NUM_GAUSS = 32
SH_DIM = 9
STOP = 5.0


def setup_inputs(seed: int = 0) -> dict:
    key = jax.random.key(seed)
    k1, k2, k3, k4 = jax.random.split(key, 4)
    dist = jax.random.uniform(k1, (N_EDGES,), dtype=jnp.float32, minval=0.0, maxval=STOP)
    sh = jax.random.normal(k2, (N_EDGES, SH_DIM), dtype=jnp.float32)
    edge_index = jax.random.randint(k3, (2, N_EDGES), 0, N_NODES, dtype=jnp.int32)
    sub_nodes = jax.random.permutation(k4, N_NODES)[:N_SUB].astype(jnp.int32)
    return {"dist": dist, "sh": sh, "edge_index": edge_index, "sub_nodes": sub_nodes}


def reference(dist, sh, edge_index, sub_nodes):
    # GaussianSmearing: distance_fn applied to edge lengths (edge_attr)
    offset = jnp.linspace(0.0, STOP, NUM_GAUSS)
    coeff = -0.5 / (offset[1] - offset[0]) ** 2
    d = dist[:, None] - offset[None, :]
    edge_attr = jnp.exp(coeff * d * d)  # [E, NUM_GAUSS]

    src = edge_index[0]
    dst = edge_index[1]

    # extract_subgraph_edges (static-shape variant: masked entries zeroed / -1 instead of compacted)
    node_mask = jnp.zeros((N_NODES,), dtype=bool).at[sub_nodes].set(True)
    edge_mask = node_mask[src] & node_mask[dst]
    idx_map = jnp.full((N_NODES,), -1, dtype=jnp.int32).at[sub_nodes].set(
        jnp.arange(N_SUB, dtype=jnp.int32))
    sub_ei = jnp.where(edge_mask[None, :], idx_map[edge_index], -1)
    m = edge_mask[:, None].astype(jnp.float32)
    sub_ea = edge_attr * m
    sub_sh = sh * m

    # get_contacts: rank of each unique src / dst node (equivalent to a_map[a]=arange(na))
    a_mask = jnp.zeros((N_NODES,), dtype=bool).at[src].set(True)
    b_mask = jnp.zeros((N_NODES,), dtype=bool).at[dst].set(True)
    na = a_mask.astype(jnp.int32).sum()
    a_rank = jnp.cumsum(a_mask.astype(jnp.int32)) - 1
    b_rank = jnp.cumsum(b_mask.astype(jnp.int32)) - 1 + na
    inter_ei = jnp.stack([a_rank[src], b_rank[dst]], axis=0)

    out = jnp.concatenate([sub_ea, sub_sh], axis=1)  # [E, NUM_GAUSS + SH_DIM]
    return out, sub_ei, inter_ei

if __name__ == "__main__":
    import jax
    _d = setup_inputs()
    print(jax.jit(kernel)(*tuple(_d.values())))

</pallas_src>

<mosaic_0001>
#map = affine_map<(d0, d1) -> (0)>
module attributes {stable_mosaic.version = 14 : i64} {
  func.func @_sc_gather_body(%arg0: i32, %arg1: i32, %arg2: memref<100352xi32, #tpu.memory_space<hbm>>, %arg3: memref<100352xi32, #tpu.memory_space<hbm>>, %arg4: memref<100352xi32, #tpu.memory_space<hbm>>, %arg5: memref<1600000xi32, #tpu.memory_space<hbm>>, %arg6: memref<1600000xi32, #tpu.memory_space<hbm>>, %arg7: memref<1600000xi32, #tpu.memory_space<hbm>>, %arg8: memref<1600000xi32, #tpu.memory_space<hbm>>, %arg9: memref<1600000xi32, #tpu.memory_space<hbm>>, %arg10: memref<1600000xi32, #tpu.memory_space<hbm>>, %arg11: memref<100352xi32, #tpu.memory_space<vmem>>, %arg12: memref<10000xi32, #tpu.memory_space<vmem>>, %arg13: memref<10000xi32, #tpu.memory_space<vmem>>) attributes {dimension_semantics = [#tpu.dimension_semantics<core_parallel>, #tpu.dimension_semantics<subcore_parallel>], iteration_bounds = array<i64: 2, 16>, scalar_prefetch = 0 : i64, scratch_operands = 3 : i64, tpu.core_type = #tpu.core_type<sc_vector_subcore>, window_params = [{transform_indices = #map}, {transform_indices = #map}, {transform_indices = #map}, {transform_indices = #map}, {transform_indices = #map}, {transform_indices = #map}, {transform_indices = #map}, {transform_indices = #map}, {transform_indices = #map}]} {
    %mul3A = arith.constant 2 : i32
    %mul3A_0 = arith.muli %arg1, %mul3A : i32
    %add3A = arith.addi %mul3A_0, %arg0 : i32
    %mul3A_1 = arith.constant 50000 : i32
    %mul3A_2 = arith.muli %add3A, %mul3A_1 : i32
    "tpu.region"() ({
      %run_scoped3A = tpu.sem_alloc : memref<!tpu.dma_semaphore, #tpu.memory_space<semaphore_mem>>
      tpu.enqueue_dma source(%arg2 : memref<100352xi32, #tpu.memory_space<hbm>>) target(%arg11 : memref<100352xi32, #tpu.memory_space<vmem>>) target_semaphore(%run_scoped3A : memref<!tpu.dma_semaphore, #tpu.memory_space<semaphore_mem>>)
      tpu.wait_dma2 semaphore(%run_scoped3A : memref<!tpu.dma_semaphore, #tpu.memory_space<semaphore_mem>>) src(%arg2 : memref<100352xi32, #tpu.memory_space<hbm>>) dst(%arg11 : memref<100352xi32, #tpu.memory_space<vmem>>)
      tpu.yield
    }) : () -> ()
    %scan3A = arith.constant 0 : i32
    %scan3A_3 = arith.constant 0 : i32
    %scan3A_4 = arith.constant 5 : i32
    %scan3A_5 = arith.addi %scan3A_3, %scan3A_4 : i32
    %scan3A_6 = arith.constant 1 : i32
    scf.for %scan3A_26 = %scan3A_3 to %scan3A_5 step %scan3A_6  : i32 {
      %mul3A_27 = arith.constant 10000 : i32
      %mul3A_28 = arith.muli %scan3A_26, %mul3A_27 : i32
      %add3A_29 = arith.addi %mul3A_2, %mul3A_28 : i32
      "tpu.region"() ({
        %run_scoped3A = tpu.sem_alloc : memref<!tpu.dma_semaphore, #tpu.memory_space<semaphore_mem>>
        %dma_start3A = tpu.memref_slice %arg5[%add3A_29] : memref<1600000xi32, #tpu.memory_space<hbm>> -> memref<10000xi32, #tpu.memory_space<hbm>>
        %dma_start3A_44 = tpu.memref_slice %arg5[%add3A_29] : memref<1600000xi32, #tpu.memory_space<hbm>> -> memref<10000xi32, #tpu.memory_space<hbm>>
        tpu.enqueue_dma source(%dma_start3A_44 : memref<10000xi32, #tpu.memory_space<hbm>>) target(%arg12 : memref<10000xi32, #tpu.memory_space<vmem>>) target_semaphore(%run_scoped3A : memref<!tpu.dma_semaphore, #tpu.memory_space<semaphore_mem>>)
        %dma_wait3A = tpu.memref_slice %arg5[%add3A_29] : memref<1600000xi32, #tpu.memory_space<hbm>> -> memref<10000xi32, #tpu.memory_space<hbm>>
        %dma_wait3A_45 = tpu.memref_slice %arg5[%add3A_29] : memref<1600000xi32, #tpu.memory_space<hbm>> -> memref<10000xi32, #tpu.memory_space<hbm>>
        tpu.wait_dma2 semaphore(%run_scoped3A : memref<!tpu.dma_semaphore, #tpu.memory_space<semaphore_mem>>) src(%dma_wait3A_45 : memref<10000xi32, #tpu.memory_space<hbm>>) dst(%arg12 : memref<10000xi32, #tpu.memory_space<vmem>>)
        tpu.yield
      }) : () -> ()
      %scan3A_30 = arith.constant 0 : i32
      %scan3A_31 = arith.constant 0 : i32
      %scan3A_32 = arith.constant 624 : i32
      %scan3A_33 = arith.addi %scan3A_31, %scan3A_32 : i32
      %scan3A_34 = arith.constant 8 : i32
      scf.for %scan3A_44 = %scan3A_31 to %scan3A_33 step %scan3A_34  : i32 {
        %mul3A_45 = arith.constant 16 : i32
        %mul3A_46 = arith.muli %scan3A_44, %mul3A_45 : i32
        %get3A_47 = arith.index_cast %mul3A_46 : i32 to index
        %get3A_48 = tpu.vector_load %arg12[%get3A_47] {strides = array<i32>} : memref<10000xi32, #tpu.memory_space<vmem>>, vector<16xi32>,
        %gather3A_49 = tpu.vector_load_idx %arg11[%get3A_48] : memref<100352xi32, #tpu.memory_space<vmem>>[vector<16xi32>], vector<16xi32>,
        %mul3A_50 = arith.constant 16 : i32
        %mul3A_51 = arith.muli %scan3A_44, %mul3A_50 : i32
        %swap3A_52 = arith.index_cast %mul3A_51 : i32 to index
        %swap3A_53 = tpu.vector_load %arg13[%swap3A_52] {strides = array<i32>} : memref<10000xi32, #tpu.memory_space<vmem>>, vector<16xi32>,
        tpu.vector_store %arg13[%swap3A_52], %gather3A_49 {strides = array<i32>} : memref<10000xi32, #tpu.memory_space<vmem>>, vector<16xi32>,
        %scan3A_54 = arith.constant 1 : i32
        %scan3A_55 = arith.addi %scan3A_44, %scan3A_54 : i32
        %mul3A_56 = arith.constant 16 : i32
        %mul3A_57 = arith.muli %scan3A_55, %mul3A_56 : i32
        %get3A_58 = arith.index_cast %mul3A_57 : i32 to index
        %get3A_59 = tpu.vector_load %arg12[%get3A_58] {strides = array<i32>} : memref<10000xi32, #tpu.memory_space<vmem>>, vector<16xi32>,
        %gather3A_60 = tpu.vector_load_idx %arg11[%get3A_59] : memref<100352xi32, #tpu.memory_space<vmem>>[vector<16xi32>], vector<16xi32>,
        %mul3A_61 = arith.constant 16 : i32
        %mul3A_62 = arith.muli %scan3A_55, %mul3A_61 : i32
        %swap3A_63 = arith.index_cast %mul3A_62 : i32 to index
        %swap3A_64 = tpu.vector_load %arg13[%swap3A_63] {strides = array<i32>} : memref<10000xi32, #tpu.memory_space<vmem>>, vector<16xi32>,
        tpu.vector_store %arg13[%swap3A_63], %gather3A_60 {strides = array<i32>} : memref<10000xi32, #tpu.memory_space<vmem>>, vector<16xi32>,
        %scan3A_65 = arith.constant 2 : i32
        %scan3A_66 = arith.addi %scan3A_44, %scan3A_65 : i32
        %mul3A_67 = arith.constant 16 : i32
        %mul3A_68 = arith.muli %scan3A_66, %mul3A_67 : i32
        %get3A_69 = arith.index_cast %mul3A_68 : i32 to index
        %get3A_70 = tpu.vector_load %arg12[%get3A_69] {strides = array<i32>} : memref<10000xi32, #tpu.memory_space<vmem>>, vector<16xi32>,
        %gather3A_71 = tpu.vector_load_idx %arg11[%get3A_70] : memref<100352xi32, #tpu.memory_space<vmem>>[vector<16xi32>], vector<16xi32>,
        %mul3A_72 = arith.constant 16 : i32
        %mul3A_73 = arith.muli %scan3A_66, %mul3A_72 : i32
        %swap3A_74 = arith.index_cast %mul3A_73 : i32 to index
        %swap3A_75 = tpu.vector_load %arg13[%swap3A_74] {strides = array<i32>} : memref<10000xi32, #tpu.memory_space<vmem>>, vector<16xi32>,
        tpu.vector_store %arg13[%swap3A_74], %gather3A_71 {strides = array<i32>} : memref<10000xi32, #tpu.memory_space<vmem>>, vector<16xi32>,
        %scan3A_76 = arith.constant 3 : i32
        %scan3A_77 = arith.addi %scan3A_44, %scan3A_76 : i32
        %mul3A_78 = arith.constant 16 : i32
        %mul3A_79 = arith.muli %scan3A_77, %mul3A_78 : i32
        %get3A_80 = arith.index_cast %mul3A_79 : i32 to index
        %get3A_81 = tpu.vector_load %arg12[%get3A_80] {strides = array<i32>} : memref<10000xi32, #tpu.memory_space<vmem>>, vector<16xi32>,
        %gather3A_82 = tpu.vector_load_idx %arg11[%get3A_81] : memref<100352xi32, #tpu.memory_space<vmem>>[vector<16xi32>], vector<16xi32>,
        %mul3A_83 = arith.constant 16 : i32
        %mul3A_84 = arith.muli %scan3A_77, %mul3A_83 : i32
        %swap3A_85 = arith.index_cast %mul3A_84 : i32 to index
        %swap3A_86 = tpu.vector_load %arg13[%swap3A_85] {strides = array<i32>} : memref<10000xi32, #tpu.memory_space<vmem>>, vector<16xi32>,
        tpu.vector_store %arg13[%swap3A_85], %gather3A_82 {strides = array<i32>} : memref<10000xi32, #tpu.memory_space<vmem>>, vector<16xi32>,
        %scan3A_87 = arith.constant 4 : i32
        %scan3A_88 = arith.addi %scan3A_44, %scan3A_87 : i32
        %mul3A_89 = arith.constant 16 : i32
        %mul3A_90 = arith.muli %scan3A_88, %mul3A_89 : i32
        %get3A_91 = arith.index_cast %mul3A_90 : i32 to index
        %get3A_92 = tpu.vector_load %arg12[%get3A_91] {strides = array<i32>} : memref<10000xi32, #tpu.memory_space<vmem>>, vector<16xi32>,
        %gather3A_93 = tpu.vector_load_idx %arg11[%get3A_92] : memref<100352xi32, #tpu.memory_space<vmem>>[vector<16xi32>], vector<16xi32>,
        %mul3A_94 = arith.constant 16 : i32
        %mul3A_95 = arith.muli %scan3A_88, %mul3A_94 : i32
        %swap3A_96 = arith.index_cast %mul3A_95 : i32 to index
        %swap3A_97 = tpu.vector_load %arg13[%swap3A_96] {strides = array<i32>} : memref<10000xi32, #tpu.memory_space<vmem>>, vector<16xi32>,
        tpu.vector_store %arg13[%swap3A_96], %gather3A_93 {strides = array<i32>} : memref<10000xi32, #tpu.memory_space<vmem>>, vector<16xi32>,
        %scan3A_98 = arith.constant 5 : i32
        %scan3A_99 = arith.addi %scan3A_44, %scan3A_98 : i32
        %mul3A_100 = arith.constant 16 : i32
        %mul3A_101 = arith.muli %scan3A_99, %mul3A_100 : i32
        %get3A_102 = arith.index_cast %mul3A_101 : i32 to index
        %get3A_103 = tpu.vector_load %arg12[%get3A_102] {strides = array<i32>} : memref<10000xi32, #tpu.memory_space<vmem>>, vector<16xi32>,
        %gather3A_104 = tpu.vector_load_idx %arg11[%get3A_103] : memref<100352xi32, #tpu.memory_space<vmem>>[vector<16xi32>], vector<16xi32>,
        %mul3A_105 = arith.constant 16 : i32
        %mul3A_106 = arith.muli %scan3A_99, %mul3A_105 : i32
        %swap3A_107 = arith.index_cast %mul3A_106 : i32 to index
        %swap3A_108 = tpu.vector_load %arg13[%swap3A_107] {strides = array<i32>} : memref<10000xi32, #tpu.memory_space<vmem>>, vector<16xi32>,
        tpu.vector_store %arg13[%swap3A_107], %gather3A_104 {strides = array<i32>} : memref<10000xi32, #tpu.memory_space<vmem>>, vector<16xi32>,
        %scan3A_109 = arith.constant 6 : i32
        %scan3A_110 = arith.addi %scan3A_44, %scan3A_109 : i32
        %mul3A_111 = arith.constant 16 : i32
        %mul3A_112 = arith.muli %scan3A_110, %mul3A_111 : i32
        %get3A_113 = arith.index_cast %mul3A_112 : i32 to index
        %get3A_114 = tpu.vector_load %arg12[%get3A_113] {strides = array<i32>} : memref<10000xi32, #tpu.memory_space<vmem>>, vector<16xi32>,
        %gather3A_115 = tpu.vector_load_idx %arg11[%get3A_114] : memref<100352xi32, #tpu.memory_space<vmem>>[vector<16xi32>], vector<16xi32>,
        %mul3A_116 = arith.constant 16 : i32
        %mul3A_117 = arith.muli %scan3A_110, %mul3A_116 : i32
        %swap3A_118 = arith.index_cast %mul3A_117 : i32 to index
        %swap3A_119 = tpu.vector_load %arg13[%swap3A_118] {strides = array<i32>} : memref<10000xi32, #tpu.memory_space<vmem>>, vector<16xi32>,
        tpu.vector_store %arg13[%swap3A_118], %gather3A_115 {strides = array<i32>} : memref<10000xi32, #tpu.memory_space<vmem>>, vector<16xi32>,
        %scan3A_120 = arith.constant 7 : i32
        %scan3A_121 = arith.addi %scan3A_44, %scan3A_120 : i32
        %mul3A_122 = arith.constant 16 : i32
        %mul3A_123 = arith.muli %scan3A_121, %mul3A_122 : i32
        %get3A_124 = arith.index_cast %mul3A_123 : i32 to index
        %get3A_125 = tpu.vector_load %arg12[%get3A_124] {strides = array<i32>} : memref<10000xi32, #tpu.memory_space<vmem>>, vector<16xi32>,
        %gather3A_126 = tpu.vector_load_idx %arg11[%get3A_125] : memref<100352xi32, #tpu.memory_space<vmem>>[vector<16xi32>], vector<16xi32>,
        %mul3A_127 = arith.constant 16 : i32
        %mul3A_128 = arith.muli %scan3A_121, %mul3A_127 : i32
        %swap3A_129 = arith.index_cast %mul3A_128 : i32 to index
        %swap3A_130 = tpu.vector_load %arg13[%swap3A_129] {strides = array<i32>} : memref<10000xi32, #tpu.memory_space<vmem>>, vector<16xi32>,
        tpu.vector_store %arg13[%swap3A_129], %gather3A_126 {strides = array<i32>} : memref<10000xi32, #tpu.memory_space<vmem>>, vector<16xi32>,
      }
      %scan3A_35 = arith.constant 624 : i32
      %scan3A_36 = arith.addi %scan3A_31, %scan3A_35 : i32
      %mul3A_37 = arith.constant 16 : i32
      %mul3A_38 = arith.muli %scan3A_36, %mul3A_37 : i32
      %get3A = arith.index_cast %mul3A_38 : i32 to index
      %get3A_39 = tpu.vector_load %arg12[%get3A] {strides = array<i32>} : memref<10000xi32, #tpu.memory_space<vmem>>, vector<16xi32>,
      %gather3A = tpu.vector_load_idx %arg11[%get3A_39] : memref<100352xi32, #tpu.memory_space<vmem>>[vector<16xi32>], vector<16xi32>,
      %mul3A_40 = arith.constant 16 : i32
      %mul3A_41 = arith.muli %scan3A_36, %mul3A_40 : i32
      %swap3A = arith.index_cast %mul3A_41 : i32 to index
      %swap3A_42 = tpu.vector_load %arg13[%swap3A] {strides = array<i32>} : memref<10000xi32, #tpu.memory_space<vmem>>, vector<16xi32>,
      tpu.vector_store %arg13[%swap3A], %gather3A {strides = array<i32>} : memref<10000xi32, #tpu.memory_space<vmem>>, vector<16xi32>,
      %scan3A_43 = arith.constant 625 : i32
      "tpu.region"() ({
        %run_scoped3A = tpu.sem_alloc : memref<!tpu.dma_semaphore, #tpu.memory_space<semaphore_mem>>
        %dma_start3A = tpu.memref_slice %arg7[%add3A_29] : memref<1600000xi32, #tpu.memory_space<hbm>> -> memref<10000xi32, #tpu.memory_space<hbm>>
        %dma_start3A_44 = tpu.memref_slice %arg7[%add3A_29] : memref<1600000xi32, #tpu.memory_space<hbm>> -> memref<10000xi32, #tpu.memory_space<hbm>>
        tpu.enqueue_dma source(%arg13 : memref<10000xi32, #tpu.memory_space<vmem>>) target(%dma_start3A_44 : memref<10000xi32, #tpu.memory_space<hbm>>) target_semaphore(%run_scoped3A : memref<!tpu.dma_semaphore, #tpu.memory_space<semaphore_mem>>)
        %dma_wait3A = tpu.memref_slice %arg7[%add3A_29] : memref<1600000xi32, #tpu.memory_space<hbm>> -> memref<10000xi32, #tpu.memory_space<hbm>>
        %dma_wait3A_45 = tpu.memref_slice %arg7[%add3A_29] : memref<1600000xi32, #tpu.memory_space<hbm>> -> memref<10000xi32, #tpu.memory_space<hbm>>
        tpu.wait_dma2 semaphore(%run_scoped3A : memref<!tpu.dma_semaphore, #tpu.memory_space<semaphore_mem>>) src(%arg13 : memref<10000xi32, #tpu.memory_space<vmem>>) dst(%dma_wait3A_45 : memref<10000xi32, #tpu.memory_space<hbm>>)
        tpu.yield
      }) : () -> ()
    }
    %scan3A_7 = arith.constant 5 : i32
    "tpu.region"() ({
      %run_scoped3A = tpu.sem_alloc : memref<!tpu.dma_semaphore, #tpu.memory_space<semaphore_mem>>
      tpu.enqueue_dma source(%arg2 : memref<100352xi32, #tpu.memory_space<hbm>>) target(%arg11 : memref<100352xi32, #tpu.memory_space<vmem>>) target_semaphore(%run_scoped3A : memref<!tpu.dma_semaphore, #tpu.memory_space<semaphore_mem>>)
      tpu.wait_dma2 semaphore(%run_scoped3A : memref<!tpu.dma_semaphore, #tpu.memory_space<semaphore_mem>>) src(%arg2 : memref<100352xi32, #tpu.memory_space<hbm>>) dst(%arg11 : memref<100352xi32, #tpu.memory_space<vmem>>)
      tpu.yield
    }) : () -> ()
    %scan3A_8 = arith.constant 0 : i32
    %scan3A_9 = arith.constant 0 : i32
    %scan3A_10 = arith.constant 5 : i32
    %scan3A_11 = arith.addi %scan3A_9, %scan3A_10 : i32
    %scan3A_12 = arith.constant 1 : i32
    scf.for %scan3A_26 = %scan3A_9 to %scan3A_11 step %scan3A_12  : i32 {
      %mul3A_27 = arith.constant 10000 : i32
      %mul3A_28 = arith.muli %scan3A_26, %mul3A_27 : i32
      %add3A_29 = arith.addi %mul3A_2, %mul3A_28 : i32
      "tpu.region"() ({
        %run_scoped3A = tpu.sem_alloc : memref<!tpu.dma_semaphore, #tpu.memory_space<semaphore_mem>>
        %dma_start3A = tpu.memref_slice %arg6[%add3A_29] : memref<1600000xi32, #tpu.memory_space<hbm>> -> memref<10000xi32, #tpu.memory_space<hbm>>
        %dma_start3A_44 = tpu.memref_slice %arg6[%add3A_29] : memref<1600000xi32, #tpu.memory_space<hbm>> -> memref<10000xi32, #tpu.memory_space<hbm>>
        tpu.enqueue_dma source(%dma_start3A_44 : memref<10000xi32, #tpu.memory_space<hbm>>) target(%arg12 : memref<10000xi32, #tpu.memory_space<vmem>>) target_semaphore(%run_scoped3A : memref<!tpu.dma_semaphore, #tpu.memory_space<semaphore_mem>>)
        %dma_wait3A = tpu.memref_slice %arg6[%add3A_29] : memref<1600000xi32, #tpu.memory_space<hbm>> -> memref<10000xi32, #tpu.memory_space<hbm>>
        %dma_wait3A_45 = tpu.memref_slice %arg6[%add3A_29] : memref<1600000xi32, #tpu.memory_space<hbm>> -> memref<10000xi32, #tpu.memory_space<hbm>>
        tpu.wait_dma2 semaphore(%run_scoped3A : memref<!tpu.dma_semaphore, #tpu.memory_space<semaphore_mem>>) src(%dma_wait3A_45 : memref<10000xi32, #tpu.memory_space<hbm>>) dst(%arg12 : memref<10000xi32, #tpu.memory_space<vmem>>)
        tpu.yield
      }) : () -> ()
      %scan3A_30 = arith.constant 0 : i32
      %scan3A_31 = arith.constant 0 : i32
      %scan3A_32 = arith.constant 624 : i32
      %scan3A_33 = arith.addi %scan3A_31, %scan3A_32 : i32
      %scan3A_34 = arith.constant 8 : i32
      scf.for %scan3A_44 = %scan3A_31 to %scan3A_33 step %scan3A_34  : i32 {
        %mul3A_45 = arith.constant 16 : i32
        %mul3A_46 = arith.muli %scan3A_44, %mul3A_45 : i32
        %get3A_47 = arith.index_cast %mul3A_46 : i32 to index
        %get3A_48 = tpu.vector_load %arg12[%get3A_47] {strides = array<i32>} : memref<10000xi32, #tpu.memory_space<vmem>>, vector<16xi32>,
        %gather3A_49 = tpu.vector_load_idx %arg11[%get3A_48] : memref<100352xi32, #tpu.memory_space<vmem>>[vector<16xi32>], vector<16xi32>,
        %mul3A_50 = arith.constant 16 : i32
        %mul3A_51 = arith.muli %scan3A_44, %mul3A_50 : i32
        %swap3A_52 = arith.index_cast %mul3A_51 : i32 to index
        %swap3A_53 = tpu.vector_load %arg13[%swap3A_52] {strides = array<i32>} : memref<10000xi32, #tpu.memory_space<vmem>>, vector<16xi32>,
        tpu.vector_store %arg13[%swap3A_52], %gather3A_49 {strides = array<i32>} : memref<10000xi32, #tpu.memory_space<vmem>>, vector<16xi32>,
        %scan3A_54 = arith.constant 1 : i32
        %scan3A_55 = arith.addi %scan3A_44, %scan3A_54 : i32
        %mul3A_56 = arith.constant 16 : i32
        %mul3A_57 = arith.muli %scan3A_55, %mul3A_56 : i32
        %get3A_58 = arith.index_cast %mul3A_57 : i32 to index
        %get3A_59 = tpu.vector_load %arg12[%get3A_58] {strides = array<i32>} : memref<10000xi32, #tpu.memory_space<vmem>>, vector<16xi32>,
        %gather3A_60 = tpu.vector_load_idx %arg11[%get3A_59] : memref<100352xi32, #tpu.memory_space<vmem>>[vector<16xi32>], vector<16xi32>,
        %mul3A_61 = arith.constant 16 : i32
        %mul3A_62 = arith.muli %scan3A_55, %mul3A_61 : i32
        %swap3A_63 = arith.index_cast %mul3A_62 : i32 to index
        %swap3A_64 = tpu.vector_load %arg13[%swap3A_63] {strides = array<i32>} : memref<10000xi32, #tpu.memory_space<vmem>>, vector<16xi32>,
        tpu.vector_store %arg13[%swap3A_63], %gather3A_60 {strides = array<i32>} : memref<10000xi32, #tpu.memory_space<vmem>>, vector<16xi32>,
        %scan3A_65 = arith.constant 2 : i32
        %scan3A_66 = arith.addi %scan3A_44, %scan3A_65 : i32
        %mul3A_67 = arith.constant 16 : i32
        %mul3A_68 = arith.muli %scan3A_66, %mul3A_67 : i32
        %get3A_69 = arith.index_cast %mul3A_68 : i32 to index
        %get3A_70 = tpu.vector_load %arg12[%get3A_69] {strides = array<i32>} : memref<10000xi32, #tpu.memory_space<vmem>>, vector<16xi32>,
        %gather3A_71 = tpu.vector_load_idx %arg11[%get3A_70] : memref<100352xi32, #tpu.memory_space<vmem>>[vector<16xi32>], vector<16xi32>,
        %mul3A_72 = arith.constant 16 : i32
        %mul3A_73 = arith.muli %scan3A_66, %mul3A_72 : i32
        %swap3A_74 = arith.index_cast %mul3A_73 : i32 to index
        %swap3A_75 = tpu.vector_load %arg13[%swap3A_74] {strides = array<i32>} : memref<10000xi32, #tpu.memory_space<vmem>>, vector<16xi32>,
        tpu.vector_store %arg13[%swap3A_74], %gather3A_71 {strides = array<i32>} : memref<10000xi32, #tpu.memory_space<vmem>>, vector<16xi32>,
        %scan3A_76 = arith.constant 3 : i32
        %scan3A_77 = arith.addi %scan3A_44, %scan3A_76 : i32
        %mul3A_78 = arith.constant 16 : i32
        %mul3A_79 = arith.muli %scan3A_77, %mul3A_78 : i32
        %get3A_80 = arith.index_cast %mul3A_79 : i32 to index
        %get3A_81 = tpu.vector_load %arg12[%get3A_80] {strides = array<i32>} : memref<10000xi32, #tpu.memory_space<vmem>>, vector<16xi32>,
        %gather3A_82 = tpu.vector_load_idx %arg11[%get3A_81] : memref<100352xi32, #tpu.memory_space<vmem>>[vector<16xi32>], vector<16xi32>,
        %mul3A_83 = arith.constant 16 : i32
        %mul3A_84 = arith.muli %scan3A_77, %mul3A_83 : i32
        %swap3A_85 = arith.index_cast %mul3A_84 : i32 to index
        %swap3A_86 = tpu.vector_load %arg13[%swap3A_85] {strides = array<i32>} : memref<10000xi32, #tpu.memory_space<vmem>>, vector<16xi32>,
        tpu.vector_store %arg13[%swap3A_85], %gather3A_82 {strides = array<i32>} : memref<10000xi32, #tpu.memory_space<vmem>>, vector<16xi32>,
        %scan3A_87 = arith.constant 4 : i32
        %scan3A_88 = arith.addi %scan3A_44, %scan3A_87 : i32
        %mul3A_89 = arith.constant 16 : i32
        %mul3A_90 = arith.muli %scan3A_88, %mul3A_89 : i32
        %get3A_91 = arith.index_cast %mul3A_90 : i32 to index
        %get3A_92 = tpu.vector_load %arg12[%get3A_91] {strides = array<i32>} : memref<10000xi32, #tpu.memory_space<vmem>>, vector<16xi32>,
        %gather3A_93 = tpu.vector_load_idx %arg11[%get3A_92] : memref<100352xi32, #tpu.memory_space<vmem>>[vector<16xi32>], vector<16xi32>,
        %mul3A_94 = arith.constant 16 : i32
        %mul3A_95 = arith.muli %scan3A_88, %mul3A_94 : i32
        %swap3A_96 = arith.index_cast %mul3A_95 : i32 to index
        %swap3A_97 = tpu.vector_load %arg13[%swap3A_96] {strides = array<i32>} : memref<10000xi32, #tpu.memory_space<vmem>>, vector<16xi32>,
        tpu.vector_store %arg13[%swap3A_96], %gather3A_93 {strides = array<i32>} : memref<10000xi32, #tpu.memory_space<vmem>>, vector<16xi32>,
        %scan3A_98 = arith.constant 5 : i32
        %scan3A_99 = arith.addi %scan3A_44, %scan3A_98 : i32
        %mul3A_100 = arith.constant 16 : i32
        %mul3A_101 = arith.muli %scan3A_99, %mul3A_100 : i32
        %get3A_102 = arith.index_cast %mul3A_101 : i32 to index
        %get3A_103 = tpu.vector_load %arg12[%get3A_102] {strides = array<i32>} : memref<10000xi32, #tpu.memory_space<vmem>>, vector<16xi32>,
        %gather3A_104 = tpu.vector_load_idx %arg11[%get3A_103] : memref<100352xi32, #tpu.memory_space<vmem>>[vector<16xi32>], vector<16xi32>,
        %mul3A_105 = arith.constant 16 : i32
        %mul3A_106 = arith.muli %scan3A_99, %mul3A_105 : i32
        %swap3A_107 = arith.index_cast %mul3A_106 : i32 to index
        %swap3A_108 = tpu.vector_load %arg13[%swap3A_107] {strides = array<i32>} : memref<10000xi32, #tpu.memory_space<vmem>>, vector<16xi32>,
        tpu.vector_store %arg13[%swap3A_107], %gather3A_104 {strides = array<i32>} : memref<10000xi32, #tpu.memory_space<vmem>>, vector<16xi32>,
        %scan3A_109 = arith.constant 6 : i32
        %scan3A_110 = arith.addi %scan3A_44, %scan3A_109 : i32
        %mul3A_111 = arith.constant 16 : i32
        %mul3A_112 = arith.muli %scan3A_110, %mul3A_111 : i32
        %get3A_113 = arith.index_cast %mul3A_112 : i32 to index
        %get3A_114 = tpu.vector_load %arg12[%get3A_113] {strides = array<i32>} : memref<10000xi32, #tpu.memory_space<vmem>>, vector<16xi32>,
        %gather3A_115 = tpu.vector_load_idx %arg11[%get3A_114] : memref<100352xi32, #tpu.memory_space<vmem>>[vector<16xi32>], vector<16xi32>,
        %mul3A_116 = arith.constant 16 : i32
        %mul3A_117 = arith.muli %scan3A_110, %mul3A_116 : i32
        %swap3A_118 = arith.index_cast %mul3A_117 : i32 to index
        %swap3A_119 = tpu.vector_load %arg13[%swap3A_118] {strides = array<i32>} : memref<10000xi32, #tpu.memory_space<vmem>>, vector<16xi32>,
        tpu.vector_store %arg13[%swap3A_118], %gather3A_115 {strides = array<i32>} : memref<10000xi32, #tpu.memory_space<vmem>>, vector<16xi32>,
        %scan3A_120 = arith.constant 7 : i32
        %scan3A_121 = arith.addi %scan3A_44, %scan3A_120 : i32
        %mul3A_122 = arith.constant 16 : i32
        %mul3A_123 = arith.muli %scan3A_121, %mul3A_122 : i32
        %get3A_124 = arith.index_cast %mul3A_123 : i32 to index
        %get3A_125 = tpu.vector_load %arg12[%get3A_124] {strides = array<i32>} : memref<10000xi32, #tpu.memory_space<vmem>>, vector<16xi32>,
        %gather3A_126 = tpu.vector_load_idx %arg11[%get3A_125] : memref<100352xi32, #tpu.memory_space<vmem>>[vector<16xi32>], vector<16xi32>,
        %mul3A_127 = arith.constant 16 : i32
        %mul3A_128 = arith.muli %scan3A_121, %mul3A_127 : i32
        %swap3A_129 = arith.index_cast %mul3A_128 : i32 to index
        %swap3A_130 = tpu.vector_load %arg13[%swap3A_129] {strides = array<i32>} : memref<10000xi32, #tpu.memory_space<vmem>>, vector<16xi32>,
        tpu.vector_store %arg13[%swap3A_129], %gather3A_126 {strides = array<i32>} : memref<10000xi32, #tpu.memory_space<vmem>>, vector<16xi32>,
      }
      %scan3A_35 = arith.constant 624 : i32
      %scan3A_36 = arith.addi %scan3A_31, %scan3A_35 : i32
      %mul3A_37 = arith.constant 16 : i32
      %mul3A_38 = arith.muli %scan3A_36, %mul3A_37 : i32
      %get3A = arith.index_cast %mul3A_38 : i32 to index
      %get3A_39 = tpu.vector_load %arg12[%get3A] {strides = array<i32>} : memref<10000xi32, #tpu.memory_space<vmem>>, vector<16xi32>,
      %gather3A = tpu.vector_load_idx %arg11[%get3A_39] : memref<100352xi32, #tpu.memory_space<vmem>>[vector<16xi32>], vector<16xi32>,
      %mul3A_40 = arith.constant 16 : i32
      %mul3A_41 = arith.muli %scan3A_36, %mul3A_40 : i32
      %swap3A = arith.index_cast %mul3A_41 : i32 to index
      %swap3A_42 = tpu.vector_load %arg13[%swap3A] {strides = array<i32>} : memref<10000xi32, #tpu.memory_space<vmem>>, vector<16xi32>,
      tpu.vector_store %arg13[%swap3A], %gather3A {strides = array<i32>} : memref<10000xi32, #tpu.memory_space<vmem>>, vector<16xi32>,
      %scan3A_43 = arith.constant 625 : i32
      "tpu.region"() ({
        %run_scoped3A = tpu.sem_alloc : memref<!tpu.dma_semaphore, #tpu.memory_space<semaphore_mem>>
        %dma_start3A = tpu.memref_slice %arg8[%add3A_29] : memref<1600000xi32, #tpu.memory_space<hbm>> -> memref<10000xi32, #tpu.memory_space<hbm>>
        %dma_start3A_44 = tpu.memref_slice %arg8[%add3A_29] : memref<1600000xi32, #tpu.memory_space<hbm>> -> memref<10000xi32, #tpu.memory_space<hbm>>
        tpu.enqueue_dma source(%arg13 : memref<10000xi32, #tpu.memory_space<vmem>>) target(%dma_start3A_44 : memref<10000xi32, #tpu.memory_space<hbm>>) target_semaphore(%run_scoped3A : memref<!tpu.dma_semaphore, #tpu.memory_space<semaphore_mem>>)
        %dma_wait3A = tpu.memref_slice %arg8[%add3A_29] : memref<1600000xi32, #tpu.memory_space<hbm>> -> memref<10000xi32, #tpu.memory_space<hbm>>
        %dma_wait3A_45 = tpu.memref_slice %arg8[%add3A_29] : memref<1600000xi32, #tpu.memory_space<hbm>> -> memref<10000xi32, #tpu.memory_space<hbm>>
        tpu.wait_dma2 semaphore(%run_scoped3A : memref<!tpu.dma_semaphore, #tpu.memory_space<semaphore_mem>>) src(%arg13 : memref<10000xi32, #tpu.memory_space<vmem>>) dst(%dma_wait3A_45 : memref<10000xi32, #tpu.memory_space<hbm>>)
        tpu.yield
      }) : () -> ()
    }
    %scan3A_13 = arith.constant 5 : i32
    "tpu.region"() ({
      %run_scoped3A = tpu.sem_alloc : memref<!tpu.dma_semaphore, #tpu.memory_space<semaphore_mem>>
      tpu.enqueue_dma source(%arg3 : memref<100352xi32, #tpu.memory_space<hbm>>) target(%arg11 : memref<100352xi32, #tpu.memory_space<vmem>>) target_semaphore(%run_scoped3A : memref<!tpu.dma_semaphore, #tpu.memory_space<semaphore_mem>>)
      tpu.wait_dma2 semaphore(%run_scoped3A : memref<!tpu.dma_semaphore, #tpu.memory_space<semaphore_mem>>) src(%arg3 : memref<100352xi32, #tpu.memory_space<hbm>>) dst(%arg11 : memref<100352xi32, #tpu.memory_space<vmem>>)
      tpu.yield
    }) : () -> ()
    %scan3A_14 = arith.constant 0 : i32
    %scan3A_15 = arith.constant 0 : i32
    %scan3A_16 = arith.constant 5 : i32
    %scan3A_17 = arith.addi %scan3A_15, %scan3A_16 : i32
    %scan3A_18 = arith.constant 1 : i32
    scf.for %scan3A_26 = %scan3A_15 to %scan3A_17 step %scan3A_18  : i32 {
      %mul3A_27 = arith.constant 10000 : i32
      %mul3A_28 = arith.muli %scan3A_26, %mul3A_27 : i32
      %add3A_29 = arith.addi %mul3A_2, %mul3A_28 : i32
      "tpu.region"() ({
        %run_scoped3A = tpu.sem_alloc : memref<!tpu.dma_semaphore, #tpu.memory_space<semaphore_mem>>
        %dma_start3A = tpu.memref_slice %arg5[%add3A_29] : memref<1600000xi32, #tpu.memory_space<hbm>> -> memref<10000xi32, #tpu.memory_space<hbm>>
        %dma_start3A_44 = tpu.memref_slice %arg5[%add3A_29] : memref<1600000xi32, #tpu.memory_space<hbm>> -> memref<10000xi32, #tpu.memory_space<hbm>>
        tpu.enqueue_dma source(%dma_start3A_44 : memref<10000xi32, #tpu.memory_space<hbm>>) target(%arg12 : memref<10000xi32, #tpu.memory_space<vmem>>) target_semaphore(%run_scoped3A : memref<!tpu.dma_semaphore, #tpu.memory_space<semaphore_mem>>)
        %dma_wait3A = tpu.memref_slice %arg5[%add3A_29] : memref<1600000xi32, #tpu.memory_space<hbm>> -> memref<10000xi32, #tpu.memory_space<hbm>>
        %dma_wait3A_45 = tpu.memref_slice %arg5[%add3A_29] : memref<1600000xi32, #tpu.memory_space<hbm>> -> memref<10000xi32, #tpu.memory_space<hbm>>
        tpu.wait_dma2 semaphore(%run_scoped3A : memref<!tpu.dma_semaphore, #tpu.memory_space<semaphore_mem>>) src(%dma_wait3A_45 : memref<10000xi32, #tpu.memory_space<hbm>>) dst(%arg12 : memref<10000xi32, #tpu.memory_space<vmem>>)
        tpu.yield
      }) : () -> ()
      %scan3A_30 = arith.constant 0 : i32
      %scan3A_31 = arith.constant 0 : i32
      %scan3A_32 = arith.constant 624 : i32
      %scan3A_33 = arith.addi %scan3A_31, %scan3A_32 : i32
      %scan3A_34 = arith.constant 8 : i32
      scf.for %scan3A_44 = %scan3A_31 to %scan3A_33 step %scan3A_34  : i32 {
        %mul3A_45 = arith.constant 16 : i32
        %mul3A_46 = arith.muli %scan3A_44, %mul3A_45 : i32
        %get3A_47 = arith.index_cast %mul3A_46 : i32 to index
        %get3A_48 = tpu.vector_load %arg12[%get3A_47] {strides = array<i32>} : memref<10000xi32, #tpu.memory_space<vmem>>, vector<16xi32>,
        %gather3A_49 = tpu.vector_load_idx %arg11[%get3A_48] : memref<100352xi32, #tpu.memory_space<vmem>>[vector<16xi32>], vector<16xi32>,
        %mul3A_50 = arith.constant 16 : i32
        %mul3A_51 = arith.muli %scan3A_44, %mul3A_50 : i32
        %swap3A_52 = arith.index_cast %mul3A_51 : i32 to index
        %swap3A_53 = tpu.vector_load %arg13[%swap3A_52] {strides = array<i32>} : memref<10000xi32, #tpu.memory_space<vmem>>, vector<16xi32>,
        tpu.vector_store %arg13[%swap3A_52], %gather3A_49 {strides = array<i32>} : memref<10000xi32, #tpu.memory_space<vmem>>, vector<16xi32>,
        %scan3A_54 = arith.constant 1 : i32
        %scan3A_55 = arith.addi %scan3A_44, %scan3A_54 : i32
        %mul3A_56 = arith.constant 16 : i32
        %mul3A_57 = arith.muli %scan3A_55, %mul3A_56 : i32
        %get3A_58 = arith.index_cast %mul3A_57 : i32 to index
        %get3A_59 = tpu.vector_load %arg12[%get3A_58] {strides = array<i32>} : memref<10000xi32, #tpu.memory_space<vmem>>, vector<16xi32>,
        %gather3A_60 = tpu.vector_load_idx %arg11[%get3A_59] : memref<100352xi32, #tpu.memory_space<vmem>>[vector<16xi32>], vector<16xi32>,
        %mul3A_61 = arith.constant 16 : i32
        %mul3A_62 = arith.muli %scan3A_55, %mul3A_61 : i32
        %swap3A_63 = arith.index_cast %mul3A_62 : i32 to index
        %swap3A_64 = tpu.vector_load %arg13[%swap3A_63] {strides = array<i32>} : memref<10000xi32, #tpu.memory_space<vmem>>, vector<16xi32>,
        tpu.vector_store %arg13[%swap3A_63], %gather3A_60 {strides = array<i32>} : memref<10000xi32, #tpu.memory_space<vmem>>, vector<16xi32>,
        %scan3A_65 = arith.constant 2 : i32
        %scan3A_66 = arith.addi %scan3A_44, %scan3A_65 : i32
        %mul3A_67 = arith.constant 16 : i32
        %mul3A_68 = arith.muli %scan3A_66, %mul3A_67 : i32
        %get3A_69 = arith.index_cast %mul3A_68 : i32 to index
        %get3A_70 = tpu.vector_load %arg12[%get3A_69] {strides = array<i32>} : memref<10000xi32, #tpu.memory_space<vmem>>, vector<16xi32>,
        %gather3A_71 = tpu.vector_load_idx %arg11[%get3A_70] : memref<100352xi32, #tpu.memory_space<vmem>>[vector<16xi32>], vector<16xi32>,
        %mul3A_72 = arith.constant 16 : i32
        %mul3A_73 = arith.muli %scan3A_66, %mul3A_72 : i32
        %swap3A_74 = arith.index_cast %mul3A_73 : i32 to index
        %swap3A_75 = tpu.vector_load %arg13[%swap3A_74] {strides = array<i32>} : memref<10000xi32, #tpu.memory_space<vmem>>, vector<16xi32>,
        tpu.vector_store %arg13[%swap3A_74], %gather3A_71 {strides = array<i32>} : memref<10000xi32, #tpu.memory_space<vmem>>, vector<16xi32>,
        %scan3A_76 = arith.constant 3 : i32
        %scan3A_77 = arith.addi %scan3A_44, %scan3A_76 : i32
        %mul3A_78 = arith.constant 16 : i32
        %mul3A_79 = arith.muli %scan3A_77, %mul3A_78 : i32
        %get3A_80 = arith.index_cast %mul3A_79 : i32 to index
        %get3A_81 = tpu.vector_load %arg12[%get3A_80] {strides = array<i32>} : memref<10000xi32, #tpu.memory_space<vmem>>, vector<16xi32>,
        %gather3A_82 = tpu.vector_load_idx %arg11[%get3A_81] : memref<100352xi32, #tpu.memory_space<vmem>>[vector<16xi32>], vector<16xi32>,
        %mul3A_83 = arith.constant 16 : i32
        %mul3A_84 = arith.muli %scan3A_77, %mul3A_83 : i32
        %swap3A_85 = arith.index_cast %mul3A_84 : i32 to index
        %swap3A_86 = tpu.vector_load %arg13[%swap3A_85] {strides = array<i32>} : memref<10000xi32, #tpu.memory_space<vmem>>, vector<16xi32>,
        tpu.vector_store %arg13[%swap3A_85], %gather3A_82 {strides = array<i32>} : memref<10000xi32, #tpu.memory_space<vmem>>, vector<16xi32>,
        %scan3A_87 = arith.constant 4 : i32
        %scan3A_88 = arith.addi %scan3A_44, %scan3A_87 : i32
        %mul3A_89 = arith.constant 16 : i32
        %mul3A_90 = arith.muli %scan3A_88, %mul3A_89 : i32
        %get3A_91 = arith.index_cast %mul3A_90 : i32 to index
        %get3A_92 = tpu.vector_load %arg12[%get3A_91] {strides = array<i32>} : memref<10000xi32, #tpu.memory_space<vmem>>, vector<16xi32>,
        %gather3A_93 = tpu.vector_load_idx %arg11[%get3A_92] : memref<100352xi32, #tpu.memory_space<vmem>>[vector<16xi32>], vector<16xi32>,
        %mul3A_94 = arith.constant 16 : i32
        %mul3A_95 = arith.muli %scan3A_88, %mul3A_94 : i32
        %swap3A_96 = arith.index_cast %mul3A_95 : i32 to index
        %swap3A_97 = tpu.vector_load %arg13[%swap3A_96] {strides = array<i32>} : memref<10000xi32, #tpu.memory_space<vmem>>, vector<16xi32>,
        tpu.vector_store %arg13[%swap3A_96], %gather3A_93 {strides = array<i32>} : memref<10000xi32, #tpu.memory_space<vmem>>, vector<16xi32>,
        %scan3A_98 = arith.constant 5 : i32
        %scan3A_99 = arith.addi %scan3A_44, %scan3A_98 : i32
        %mul3A_100 = arith.constant 16 : i32
        %mul3A_101 = arith.muli %scan3A_99, %mul3A_100 : i32
        %get3A_102 = arith.index_cast %mul3A_101 : i32 to index
        %get3A_103 = tpu.vector_load %arg12[%get3A_102] {strides = array<i32>} : memref<10000xi32, #tpu.memory_space<vmem>>, vector<16xi32>,
        %gather3A_104 = tpu.vector_load_idx %arg11[%get3A_103] : memref<100352xi32, #tpu.memory_space<vmem>>[vector<16xi32>], vector<16xi32>,
        %mul3A_105 = arith.constant 16 : i32
        %mul3A_106 = arith.muli %scan3A_99, %mul3A_105 : i32
        %swap3A_107 = arith.index_cast %mul3A_106 : i32 to index
        %swap3A_108 = tpu.vector_load %arg13[%swap3A_107] {strides = array<i32>} : memref<10000xi32, #tpu.memory_space<vmem>>, vector<16xi32>,
        tpu.vector_store %arg13[%swap3A_107], %gather3A_104 {strides = array<i32>} : memref<10000xi32, #tpu.memory_space<vmem>>, vector<16xi32>,
        %scan3A_109 = arith.constant 6 : i32
        %scan3A_110 = arith.addi %scan3A_44, %scan3A_109 : i32
        %mul3A_111 = arith.constant 16 : i32
        %mul3A_112 = arith.muli %scan3A_110, %mul3A_111 : i32
        %get3A_113 = arith.index_cast %mul3A_112 : i32 to index
        %get3A_114 = tpu.vector_load %arg12[%get3A_113] {strides = array<i32>} : memref<10000xi32, #tpu.memory_space<vmem>>, vector<16xi32>,
        %gather3A_115 = tpu.vector_load_idx %arg11[%get3A_114] : memref<100352xi32, #tpu.memory_space<vmem>>[vector<16xi32>], vector<16xi32>,
        %mul3A_116 = arith.constant 16 : i32
        %mul3A_117 = arith.muli %scan3A_110, %mul3A_116 : i32
        %swap3A_118 = arith.index_cast %mul3A_117 : i32 to index
        %swap3A_119 = tpu.vector_load %arg13[%swap3A_118] {strides = array<i32>} : memref<10000xi32, #tpu.memory_space<vmem>>, vector<16xi32>,
        tpu.vector_store %arg13[%swap3A_118], %gather3A_115 {strides = array<i32>} : memref<10000xi32, #tpu.memory_space<vmem>>, vector<16xi32>,
        %scan3A_120 = arith.constant 7 : i32
        %scan3A_121 = arith.addi %scan3A_44, %scan3A_120 : i32
        %mul3A_122 = arith.constant 16 : i32
        %mul3A_123 = arith.muli %scan3A_121, %mul3A_122 : i32
        %get3A_124 = arith.index_cast %mul3A_123 : i32 to index
        %get3A_125 = tpu.vector_load %arg12[%get3A_124] {strides = array<i32>} : memref<10000xi32, #tpu.memory_space<vmem>>, vector<16xi32>,
        %gather3A_126 = tpu.vector_load_idx %arg11[%get3A_125] : memref<100352xi32, #tpu.memory_space<vmem>>[vector<16xi32>], vector<16xi32>,
        %mul3A_127 = arith.constant 16 : i32
        %mul3A_128 = arith.muli %scan3A_121, %mul3A_127 : i32
        %swap3A_129 = arith.index_cast %mul3A_128 : i32 to index
        %swap3A_130 = tpu.vector_load %arg13[%swap3A_129] {strides = array<i32>} : memref<10000xi32, #tpu.memory_space<vmem>>, vector<16xi32>,
        tpu.vector_store %arg13[%swap3A_129], %gather3A_126 {strides = array<i32>} : memref<10000xi32, #tpu.memory_space<vmem>>, vector<16xi32>,
      }
      %scan3A_35 = arith.constant 624 : i32
      %scan3A_36 = arith.addi %scan3A_31, %scan3A_35 : i32
      %mul3A_37 = arith.constant 16 : i32
      %mul3A_38 = arith.muli %scan3A_36, %mul3A_37 : i32
      %get3A = arith.index_cast %mul3A_38 : i32 to index
      %get3A_39 = tpu.vector_load %arg12[%get3A] {strides = array<i32>} : memref<10000xi32, #tpu.memory_space<vmem>>, vector<16xi32>,
      %gather3A = tpu.vector_load_idx %arg11[%get3A_39] : memref<100352xi32, #tpu.memory_space<vmem>>[vector<16xi32>], vector<16xi32>,
      %mul3A_40 = arith.constant 16 : i32
      %mul3A_41 = arith.muli %scan3A_36, %mul3A_40 : i32
      %swap3A = arith.index_cast %mul3A_41 : i32 to index
      %swap3A_42 = tpu.vector_load %arg13[%swap3A] {strides = array<i32>} : memref<10000xi32, #tpu.memory_space<vmem>>, vector<16xi32>,
      tpu.vector_store %arg13[%swap3A], %gather3A {strides = array<i32>} : memref<10000xi32, #tpu.memory_space<vmem>>, vector<16xi32>,
      %scan3A_43 = arith.constant 625 : i32
      "tpu.region"() ({
        %run_scoped3A = tpu.sem_alloc : memref<!tpu.dma_semaphore, #tpu.memory_space<semaphore_mem>>
        %dma_start3A = tpu.memref_slice %arg9[%add3A_29] : memref<1600000xi32, #tpu.memory_space<hbm>> -> memref<10000xi32, #tpu.memory_space<hbm>>
        %dma_start3A_44 = tpu.memref_slice %arg9[%add3A_29] : memref<1600000xi32, #tpu.memory_space<hbm>> -> memref<10000xi32, #tpu.memory_space<hbm>>
        tpu.enqueue_dma source(%arg13 : memref<10000xi32, #tpu.memory_space<vmem>>) target(%dma_start3A_44 : memref<10000xi32, #tpu.memory_space<hbm>>) target_semaphore(%run_scoped3A : memref<!tpu.dma_semaphore, #tpu.memory_space<semaphore_mem>>)
        %dma_wait3A = tpu.memref_slice %arg9[%add3A_29] : memref<1600000xi32, #tpu.memory_space<hbm>> -> memref<10000xi32, #tpu.memory_space<hbm>>
        %dma_wait3A_45 = tpu.memref_slice %arg9[%add3A_29] : memref<1600000xi32, #tpu.memory_space<hbm>> -> memref<10000xi32, #tpu.memory_space<hbm>>
        tpu.wait_dma2 semaphore(%run_scoped3A : memref<!tpu.dma_semaphore, #tpu.memory_space<semaphore_mem>>) src(%arg13 : memref<10000xi32, #tpu.memory_space<vmem>>) dst(%dma_wait3A_45 : memref<10000xi32, #tpu.memory_space<hbm>>)
        tpu.yield
      }) : () -> ()
    }
    %scan3A_19 = arith.constant 5 : i32
    "tpu.region"() ({
      %run_scoped3A = tpu.sem_alloc : memref<!tpu.dma_semaphore, #tpu.memory_space<semaphore_mem>>
      tpu.enqueue_dma source(%arg4 : memref<100352xi32, #tpu.memory_space<hbm>>) target(%arg11 : memref<100352xi32, #tpu.memory_space<vmem>>) target_semaphore(%run_scoped3A : memref<!tpu.dma_semaphore, #tpu.memory_space<semaphore_mem>>)
      tpu.wait_dma2 semaphore(%run_scoped3A : memref<!tpu.dma_semaphore, #tpu.memory_space<semaphore_mem>>) src(%arg4 : memref<100352xi32, #tpu.memory_space<hbm>>) dst(%arg11 : memref<100352xi32, #tpu.memory_space<vmem>>)
      tpu.yield
    }) : () -> ()
    %scan3A_20 = arith.constant 0 : i32
    %scan3A_21 = arith.constant 0 : i32
    %scan3A_22 = arith.constant 5 : i32
    %scan3A_23 = arith.addi %scan3A_21, %scan3A_22 : i32
    %scan3A_24 = arith.constant 1 : i32
    scf.for %scan3A_26 = %scan3A_21 to %scan3A_23 step %scan3A_24  : i32 {
      %mul3A_27 = arith.constant 10000 : i32
      %mul3A_28 = arith.muli %scan3A_26, %mul3A_27 : i32
      %add3A_29 = arith.addi %mul3A_2, %mul3A_28 : i32
      "tpu.region"() ({
        %run_scoped3A = tpu.sem_alloc : memref<!tpu.dma_semaphore, #tpu.memory_space<semaphore_mem>>
        %dma_start3A = tpu.memref_slice %arg6[%add3A_29] : memref<1600000xi32, #tpu.memory_space<hbm>> -> memref<10000xi32, #tpu.memory_space<hbm>>
        %dma_start3A_44 = tpu.memref_slice %arg6[%add3A_29] : memref<1600000xi32, #tpu.memory_space<hbm>> -> memref<10000xi32, #tpu.memory_space<hbm>>
        tpu.enqueue_dma source(%dma_start3A_44 : memref<10000xi32, #tpu.memory_space<hbm>>) target(%arg12 : memref<10000xi32, #tpu.memory_space<vmem>>) target_semaphore(%run_scoped3A : memref<!tpu.dma_semaphore, #tpu.memory_space<semaphore_mem>>)
        %dma_wait3A = tpu.memref_slice %arg6[%add3A_29] : memref<1600000xi32, #tpu.memory_space<hbm>> -> memref<10000xi32, #tpu.memory_space<hbm>>
        %dma_wait3A_45 = tpu.memref_slice %arg6[%add3A_29] : memref<1600000xi32, #tpu.memory_space<hbm>> -> memref<10000xi32, #tpu.memory_space<hbm>>
        tpu.wait_dma2 semaphore(%run_scoped3A : memref<!tpu.dma_semaphore, #tpu.memory_space<semaphore_mem>>) src(%dma_wait3A_45 : memref<10000xi32, #tpu.memory_space<hbm>>) dst(%arg12 : memref<10000xi32, #tpu.memory_space<vmem>>)
        tpu.yield
      }) : () -> ()
      %scan3A_30 = arith.constant 0 : i32
      %scan3A_31 = arith.constant 0 : i32
      %scan3A_32 = arith.constant 624 : i32
      %scan3A_33 = arith.addi %scan3A_31, %scan3A_32 : i32
      %scan3A_34 = arith.constant 8 : i32
      scf.for %scan3A_44 = %scan3A_31 to %scan3A_33 step %scan3A_34  : i32 {
        %mul3A_45 = arith.constant 16 : i32
        %mul3A_46 = arith.muli %scan3A_44, %mul3A_45 : i32
        %get3A_47 = arith.index_cast %mul3A_46 : i32 to index
        %get3A_48 = tpu.vector_load %arg12[%get3A_47] {strides = array<i32>} : memref<10000xi32, #tpu.memory_space<vmem>>, vector<16xi32>,
        %gather3A_49 = tpu.vector_load_idx %arg11[%get3A_48] : memref<100352xi32, #tpu.memory_space<vmem>>[vector<16xi32>], vector<16xi32>,
        %mul3A_50 = arith.constant 16 : i32
        %mul3A_51 = arith.muli %scan3A_44, %mul3A_50 : i32
        %swap3A_52 = arith.index_cast %mul3A_51 : i32 to index
        %swap3A_53 = tpu.vector_load %arg13[%swap3A_52] {strides = array<i32>} : memref<10000xi32, #tpu.memory_space<vmem>>, vector<16xi32>,
        tpu.vector_store %arg13[%swap3A_52], %gather3A_49 {strides = array<i32>} : memref<10000xi32, #tpu.memory_space<vmem>>, vector<16xi32>,
        %scan3A_54 = arith.constant 1 : i32
        %scan3A_55 = arith.addi %scan3A_44, %scan3A_54 : i32
        %mul3A_56 = arith.constant 16 : i32
        %mul3A_57 = arith.muli %scan3A_55, %mul3A_56 : i32
        %get3A_58 = arith.index_cast %mul3A_57 : i32 to index
        %get3A_59 = tpu.vector_load %arg12[%get3A_58] {strides = array<i32>} : memref<10000xi32, #tpu.memory_space<vmem>>, vector<16xi32>,
        %gather3A_60 = tpu.vector_load_idx %arg11[%get3A_59] : memref<100352xi32, #tpu.memory_space<vmem>>[vector<16xi32>], vector<16xi32>,
        %mul3A_61 = arith.constant 16 : i32
        %mul3A_62 = arith.muli %scan3A_55, %mul3A_61 : i32
        %swap3A_63 = arith.index_cast %mul3A_62 : i32 to index
        %swap3A_64 = tpu.vector_load %arg13[%swap3A_63] {strides = array<i32>} : memref<10000xi32, #tpu.memory_space<vmem>>, vector<16xi32>,
        tpu.vector_store %arg13[%swap3A_63], %gather3A_60 {strides = array<i32>} : memref<10000xi32, #tpu.memory_space<vmem>>, vector<16xi32>,
        %scan3A_65 = arith.constant 2 : i32
        %scan3A_66 = arith.addi %scan3A_44, %scan3A_65 : i32
        %mul3A_67 = arith.constant 16 : i32
        %mul3A_68 = arith.muli %scan3A_66, %mul3A_67 : i32
        %get3A_69 = arith.index_cast %mul3A_68 : i32 to index
        %get3A_70 = tpu.vector_load %arg12[%get3A_69] {strides = array<i32>} : memref<10000xi32, #tpu.memory_space<vmem>>, vector<16xi32>,
        %gather3A_71 = tpu.vector_load_idx %arg11[%get3A_70] : memref<100352xi32, #tpu.memory_space<vmem>>[vector<16xi32>], vector<16xi32>,
        %mul3A_72 = arith.constant 16 : i32
        %mul3A_73 = arith.muli %scan3A_66, %mul3A_72 : i32
        %swap3A_74 = arith.index_cast %mul3A_73 : i32 to index
        %swap3A_75 = tpu.vector_load %arg13[%swap3A_74] {strides = array<i32>} : memref<10000xi32, #tpu.memory_space<vmem>>, vector<16xi32>,
        tpu.vector_store %arg13[%swap3A_74], %gather3A_71 {strides = array<i32>} : memref<10000xi32, #tpu.memory_space<vmem>>, vector<16xi32>,
        %scan3A_76 = arith.constant 3 : i32
        %scan3A_77 = arith.addi %scan3A_44, %scan3A_76 : i32
        %mul3A_78 = arith.constant 16 : i32
        %mul3A_79 = arith.muli %scan3A_77, %mul3A_78 : i32
        %get3A_80 = arith.index_cast %mul3A_79 : i32 to index
        %get3A_81 = tpu.vector_load %arg12[%get3A_80] {strides = array<i32>} : memref<10000xi32, #tpu.memory_space<vmem>>, vector<16xi32>,
        %gather3A_82 = tpu.vector_load_idx %arg11[%get3A_81] : memref<100352xi32, #tpu.memory_space<vmem>>[vector<16xi32>], vector<16xi32>,
        %mul3A_83 = arith.constant 16 : i32
        %mul3A_84 = arith.muli %scan3A_77, %mul3A_83 : i32
        %swap3A_85 = arith.index_cast %mul3A_84 : i32 to index
        %swap3A_86 = tpu.vector_load %arg13[%swap3A_85] {strides = array<i32>} : memref<10000xi32, #tpu.memory_space<vmem>>, vector<16xi32>,
        tpu.vector_store %arg13[%swap3A_85], %gather3A_82 {strides = array<i32>} : memref<10000xi32, #tpu.memory_space<vmem>>, vector<16xi32>,
        %scan3A_87 = arith.constant 4 : i32
        %scan3A_88 = arith.addi %scan3A_44, %scan3A_87 : i32
        %mul3A_89 = arith.constant 16 : i32
        %mul3A_90 = arith.muli %scan3A_88, %mul3A_89 : i32
        %get3A_91 = arith.index_cast %mul3A_90 : i32 to index
        %get3A_92 = tpu.vector_load %arg12[%get3A_91] {strides = array<i32>} : memref<10000xi32, #tpu.memory_space<vmem>>, vector<16xi32>,
        %gather3A_93 = tpu.vector_load_idx %arg11[%get3A_92] : memref<100352xi32, #tpu.memory_space<vmem>>[vector<16xi32>], vector<16xi32>,
        %mul3A_94 = arith.constant 16 : i32
        %mul3A_95 = arith.muli %scan3A_88, %mul3A_94 : i32
        %swap3A_96 = arith.index_cast %mul3A_95 : i32 to index
        %swap3A_97 = tpu.vector_load %arg13[%swap3A_96] {strides = array<i32>} : memref<10000xi32, #tpu.memory_space<vmem>>, vector<16xi32>,
        tpu.vector_store %arg13[%swap3A_96], %gather3A_93 {strides = array<i32>} : memref<10000xi32, #tpu.memory_space<vmem>>, vector<16xi32>,
        %scan3A_98 = arith.constant 5 : i32
        %scan3A_99 = arith.addi %scan3A_44, %scan3A_98 : i32
        %mul3A_100 = arith.constant 16 : i32
        %mul3A_101 = arith.muli %scan3A_99, %mul3A_100 : i32
        %get3A_102 = arith.index_cast %mul3A_101 : i32 to index
        %get3A_103 = tpu.vector_load %arg12[%get3A_102] {strides = array<i32>} : memref<10000xi32, #tpu.memory_space<vmem>>, vector<16xi32>,
        %gather3A_104 = tpu.vector_load_idx %arg11[%get3A_103] : memref<100352xi32, #tpu.memory_space<vmem>>[vector<16xi32>], vector<16xi32>,
        %mul3A_105 = arith.constant 16 : i32
        %mul3A_106 = arith.muli %scan3A_99, %mul3A_105 : i32
        %swap3A_107 = arith.index_cast %mul3A_106 : i32 to index
        %swap3A_108 = tpu.vector_load %arg13[%swap3A_107] {strides = array<i32>} : memref<10000xi32, #tpu.memory_space<vmem>>, vector<16xi32>,
        tpu.vector_store %arg13[%swap3A_107], %gather3A_104 {strides = array<i32>} : memref<10000xi32, #tpu.memory_space<vmem>>, vector<16xi32>,
        %scan3A_109 = arith.constant 6 : i32
        %scan3A_110 = arith.addi %scan3A_44, %scan3A_109 : i32
        %mul3A_111 = arith.constant 16 : i32
        %mul3A_112 = arith.muli %scan3A_110, %mul3A_111 : i32
        %get3A_113 = arith.index_cast %mul3A_112 : i32 to index
        %get3A_114 = tpu.vector_load %arg12[%get3A_113] {strides = array<i32>} : memref<10000xi32, #tpu.memory_space<vmem>>, vector<16xi32>,
        %gather3A_115 = tpu.vector_load_idx %arg11[%get3A_114] : memref<100352xi32, #tpu.memory_space<vmem>>[vector<16xi32>], vector<16xi32>,
        %mul3A_116 = arith.constant 16 : i32
        %mul3A_117 = arith.muli %scan3A_110, %mul3A_116 : i32
        %swap3A_118 = arith.index_cast %mul3A_117 : i32 to index
        %swap3A_119 = tpu.vector_load %arg13[%swap3A_118] {strides = array<i32>} : memref<10000xi32, #tpu.memory_space<vmem>>, vector<16xi32>,
        tpu.vector_store %arg13[%swap3A_118], %gather3A_115 {strides = array<i32>} : memref<10000xi32, #tpu.memory_space<vmem>>, vector<16xi32>,
        %scan3A_120 = arith.constant 7 : i32
        %scan3A_121 = arith.addi %scan3A_44, %scan3A_120 : i32
        %mul3A_122 = arith.constant 16 : i32
        %mul3A_123 = arith.muli %scan3A_121, %mul3A_122 : i32
        %get3A_124 = arith.index_cast %mul3A_123 : i32 to index
        %get3A_125 = tpu.vector_load %arg12[%get3A_124] {strides = array<i32>} : memref<10000xi32, #tpu.memory_space<vmem>>, vector<16xi32>,
        %gather3A_126 = tpu.vector_load_idx %arg11[%get3A_125] : memref<100352xi32, #tpu.memory_space<vmem>>[vector<16xi32>], vector<16xi32>,
        %mul3A_127 = arith.constant 16 : i32
        %mul3A_128 = arith.muli %scan3A_121, %mul3A_127 : i32
        %swap3A_129 = arith.index_cast %mul3A_128 : i32 to index
        %swap3A_130 = tpu.vector_load %arg13[%swap3A_129] {strides = array<i32>} : memref<10000xi32, #tpu.memory_space<vmem>>, vector<16xi32>,
        tpu.vector_store %arg13[%swap3A_129], %gather3A_126 {strides = array<i32>} : memref<10000xi32, #tpu.memory_space<vmem>>, vector<16xi32>,
      }
      %scan3A_35 = arith.constant 624 : i32
      %scan3A_36 = arith.addi %scan3A_31, %scan3A_35 : i32
      %mul3A_37 = arith.constant 16 : i32
      %mul3A_38 = arith.muli %scan3A_36, %mul3A_37 : i32
      %get3A = arith.index_cast %mul3A_38 : i32 to index
      %get3A_39 = tpu.vector_load %arg12[%get3A] {strides = array<i32>} : memref<10000xi32, #tpu.memory_space<vmem>>, vector<16xi32>,
      %gather3A = tpu.vector_load_idx %arg11[%get3A_39] : memref<100352xi32, #tpu.memory_space<vmem>>[vector<16xi32>], vector<16xi32>,
      %mul3A_40 = arith.constant 16 : i32
      %mul3A_41 = arith.muli %scan3A_36, %mul3A_40 : i32
      %swap3A = arith.index_cast %mul3A_41 : i32 to index
      %swap3A_42 = tpu.vector_load %arg13[%swap3A] {strides = array<i32>} : memref<10000xi32, #tpu.memory_space<vmem>>, vector<16xi32>,
      tpu.vector_store %arg13[%swap3A], %gather3A {strides = array<i32>} : memref<10000xi32, #tpu.memory_space<vmem>>, vector<16xi32>,
      %scan3A_43 = arith.constant 625 : i32
      "tpu.region"() ({
        %run_scoped3A = tpu.sem_alloc : memref<!tpu.dma_semaphore, #tpu.memory_space<semaphore_mem>>
        %dma_start3A = tpu.memref_slice %arg10[%add3A_29] : memref<1600000xi32, #tpu.memory_space<hbm>> -> memref<10000xi32, #tpu.memory_space<hbm>>
        %dma_start3A_44 = tpu.memref_slice %arg10[%add3A_29] : memref<1600000xi32, #tpu.memory_space<hbm>> -> memref<10000xi32, #tpu.memory_space<hbm>>
        tpu.enqueue_dma source(%arg13 : memref<10000xi32, #tpu.memory_space<vmem>>) target(%dma_start3A_44 : memref<10000xi32, #tpu.memory_space<hbm>>) target_semaphore(%run_scoped3A : memref<!tpu.dma_semaphore, #tpu.memory_space<semaphore_mem>>)
        %dma_wait3A = tpu.memref_slice %arg10[%add3A_29] : memref<1600000xi32, #tpu.memory_space<hbm>> -> memref<10000xi32, #tpu.memory_space<hbm>>
        %dma_wait3A_45 = tpu.memref_slice %arg10[%add3A_29] : memref<1600000xi32, #tpu.memory_space<hbm>> -> memref<10000xi32, #tpu.memory_space<hbm>>
        tpu.wait_dma2 semaphore(%run_scoped3A : memref<!tpu.dma_semaphore, #tpu.memory_space<semaphore_mem>>) src(%arg13 : memref<10000xi32, #tpu.memory_space<vmem>>) dst(%dma_wait3A_45 : memref<10000xi32, #tpu.memory_space<hbm>>)
        tpu.yield
      }) : () -> ()
    }
    %scan3A_25 = arith.constant 5 : i32
    return
  }
}

#map = affine_map<(d0, d1) -> (0, 0)>
#map1 = affine_map<(d0, d1) -> (0)>
module attributes {stable_mosaic.version = 14 : i64} {
  func.func @_sc_scatter_body(%arg0: i32, %arg1: i32, %arg2: memref<12500x128xi32, #tpu.memory_space<hbm>>, %arg3: memref<12500x128xi32, #tpu.memory_space<hbm>>, %arg4: memref<391x128xi32, #tpu.memory_space<hbm>>, %arg5: memref<391x128xi32, #tpu.memory_space<hbm>>, %arg6: memref<128xi32, #tpu.memory_space<hbm>>, %arg7: memref<100352xi32, #tpu.memory_space<hbm>>, %arg8: memref<100352xi32, #tpu.memory_space<hbm>>, %arg9: memref<100352xi32, #tpu.memory_space<hbm>>, %arg10: memref<100352xi32, #tpu.memory_space<hbm>>, %arg11: memref<100352xi32, #tpu.memory_space<hbm>>, %arg12: memref<6272xi32, #tpu.memory_space<vmem>>, %arg13: memref<24x128xi32, #tpu.memory_space<vmem>>, %arg14: memref<24x128xi32, #tpu.memory_space<vmem>>, %arg15: memref<1x128xi32, #tpu.memory_space<vmem>>, %arg16: memref<128xi32, #tpu.memory_space<vmem>>, %arg17: memref<100352xi32, #tpu.memory_space<vmem_shared>>, %arg18: memref<100352xi32, #tpu.memory_space<vmem_shared>>, %arg19: memref<100352xi32, #tpu.memory_space<vmem_shared>>, %arg20: memref<!tpu.dma_semaphore, #tpu.memory_space<semaphore_mem>>) attributes {dimension_semantics = [#tpu.dimension_semantics<core_parallel>, #tpu.dimension_semantics<subcore_parallel>], iteration_bounds = array<i64: 2, 16>, scalar_prefetch = 0 : i64, scratch_operands = 9 : i64, tpu.core_type = #tpu.core_type<sc_vector_subcore>, window_params = [{transform_indices = #map}, {transform_indices = #map}, {transform_indices = #map}, {transform_indices = #map}, {transform_indices = #map1}, {transform_indices = #map1}, {transform_indices = #map1}, {transform_indices = #map1}, {transform_indices = #map1}, {transform_indices = #map1}]} {
    "tpu.region"() ({
      %run_scoped3A = tpu.sem_alloc : memref<!tpu.dma_semaphore, #tpu.memory_space<semaphore_mem>>
      tpu.enqueue_dma source(%arg6 : memref<128xi32, #tpu.memory_space<hbm>>) target(%arg16 : memref<128xi32, #tpu.memory_space<vmem>>) target_semaphore(%run_scoped3A : memref<!tpu.dma_semaphore, #tpu.memory_space<semaphore_mem>>)
      tpu.wait_dma2 semaphore(%run_scoped3A : memref<!tpu.dma_semaphore, #tpu.memory_space<semaphore_mem>>) src(%arg6 : memref<128xi32, #tpu.memory_space<hbm>>) dst(%arg16 : memref<128xi32, #tpu.memory_space<vmem>>)
      tpu.yield
    }) : () -> ()
    %scan3A = arith.constant 0 : i32
    %scan3A_0 = arith.constant 0 : i32
    %scan3A_1 = arith.constant 392 : i32
    %scan3A_2 = arith.addi %scan3A_0, %scan3A_1 : i32
    %scan3A_3 = arith.constant 8 : i32
    scf.for %scan3A_42 = %scan3A_0 to %scan3A_2 step %scan3A_3  : i32 {
      %broadcast_in_dim3A = arith.constant 0 : i32
      %broadcast_in_dim3A_43 = vector.broadcast %broadcast_in_dim3A : i32 to vector<16xi32>
      %mul3A_44 = arith.constant 16 : i32
      %mul3A_45 = arith.muli %scan3A_42, %mul3A_44 : i32
      %swap3A = arith.index_cast %mul3A_45 : i32 to index
      %swap3A_46 = tpu.vector_load %arg12[%swap3A] {strides = array<i32>} : memref<6272xi32, #tpu.memory_space<vmem>>, vector<16xi32>,
      tpu.vector_store %arg12[%swap3A], %broadcast_in_dim3A_43 {strides = array<i32>} : memref<6272xi32, #tpu.memory_space<vmem>>, vector<16xi32>,
      %scan3A_47 = arith.constant 1 : i32
      %scan3A_48 = arith.addi %scan3A_42, %scan3A_47 : i32
      %broadcast_in_dim3A_49 = arith.constant 0 : i32
      %broadcast_in_dim3A_50 = vector.broadcast %broadcast_in_dim3A_49 : i32 to vector<16xi32>
      %mul3A_51 = arith.constant 16 : i32
      %mul3A_52 = arith.muli %scan3A_48, %mul3A_51 : i32
      %swap3A_53 = arith.index_cast %mul3A_52 : i32 to index
      %swap3A_54 = tpu.vector_load %arg12[%swap3A_53] {strides = array<i32>} : memref<6272xi32, #tpu.memory_space<vmem>>, vector<16xi32>,
      tpu.vector_store %arg12[%swap3A_53], %broadcast_in_dim3A_50 {strides = array<i32>} : memref<6272xi32, #tpu.memory_space<vmem>>, vector<16xi32>,
      %scan3A_55 = arith.constant 2 : i32
      %scan3A_56 = arith.addi %scan3A_42, %scan3A_55 : i32
      %broadcast_in_dim3A_57 = arith.constant 0 : i32
      %broadcast_in_dim3A_58 = vector.broadcast %broadcast_in_dim3A_57 : i32 to vector<16xi32>
      %mul3A_59 = arith.constant 16 : i32
      %mul3A_60 = arith.muli %scan3A_56, %mul3A_59 : i32
      %swap3A_61 = arith.index_cast %mul3A_60 : i32 to index
      %swap3A_62 = tpu.vector_load %arg12[%swap3A_61] {strides = array<i32>} : memref<6272xi32, #tpu.memory_space<vmem>>, vector<16xi32>,
      tpu.vector_store %arg12[%swap3A_61], %broadcast_in_dim3A_58 {strides = array<i32>} : memref<6272xi32, #tpu.memory_space<vmem>>, vector<16xi32>,
      %scan3A_63 = arith.constant 3 : i32
      %scan3A_64 = arith.addi %scan3A_42, %scan3A_63 : i32
      %broadcast_in_dim3A_65 = arith.constant 0 : i32
      %broadcast_in_dim3A_66 = vector.broadcast %broadcast_in_dim3A_65 : i32 to vector<16xi32>
      %mul3A_67 = arith.constant 16 : i32
      %mul3A_68 = arith.muli %scan3A_64, %mul3A_67 : i32
      %swap3A_69 = arith.index_cast %mul3A_68 : i32 to index
      %swap3A_70 = tpu.vector_load %arg12[%swap3A_69] {strides = array<i32>} : memref<6272xi32, #tpu.memory_space<vmem>>, vector<16xi32>,
      tpu.vector_store %arg12[%swap3A_69], %broadcast_in_dim3A_66 {strides = array<i32>} : memref<6272xi32, #tpu.memory_space<vmem>>, vector<16xi32>,
      %scan3A_71 = arith.constant 4 : i32
      %scan3A_72 = arith.addi %scan3A_42, %scan3A_71 : i32
      %broadcast_in_dim3A_73 = arith.constant 0 : i32
      %broadcast_in_dim3A_74 = vector.broadcast %broadcast_in_dim3A_73 : i32 to vector<16xi32>
      %mul3A_75 = arith.constant 16 : i32
      %mul3A_76 = arith.muli %scan3A_72, %mul3A_75 : i32
      %swap3A_77 = arith.index_cast %mul3A_76 : i32 to index
      %swap3A_78 = tpu.vector_load %arg12[%swap3A_77] {strides = array<i32>} : memref<6272xi32, #tpu.memory_space<vmem>>, vector<16xi32>,
      tpu.vector_store %arg12[%swap3A_77], %broadcast_in_dim3A_74 {strides = array<i32>} : memref<6272xi32, #tpu.memory_space<vmem>>, vector<16xi32>,
      %scan3A_79 = arith.constant 5 : i32
      %scan3A_80 = arith.addi %scan3A_42, %scan3A_79 : i32
      %broadcast_in_dim3A_81 = arith.constant 0 : i32
      %broadcast_in_dim3A_82 = vector.broadcast %broadcast_in_dim3A_81 : i32 to vector<16xi32>
      %mul3A_83 = arith.constant 16 : i32
      %mul3A_84 = arith.muli %scan3A_80, %mul3A_83 : i32
      %swap3A_85 = arith.index_cast %mul3A_84 : i32 to index
      %swap3A_86 = tpu.vector_load %arg12[%swap3A_85] {strides = array<i32>} : memref<6272xi32, #tpu.memory_space<vmem>>, vector<16xi32>,
      tpu.vector_store %arg12[%swap3A_85], %broadcast_in_dim3A_82 {strides = array<i32>} : memref<6272xi32, #tpu.memory_space<vmem>>, vector<16xi32>,
      %scan3A_87 = arith.constant 6 : i32
      %scan3A_88 = arith.addi %scan3A_42, %scan3A_87 : i32
      %broadcast_in_dim3A_89 = arith.constant 0 : i32
      %broadcast_in_dim3A_90 = vector.broadcast %broadcast_in_dim3A_89 : i32 to vector<16xi32>
      %mul3A_91 = arith.constant 16 : i32
      %mul3A_92 = arith.muli %scan3A_88, %mul3A_91 : i32
      %swap3A_93 = arith.index_cast %mul3A_92 : i32 to index
      %swap3A_94 = tpu.vector_load %arg12[%swap3A_93] {strides = array<i32>} : memref<6272xi32, #tpu.memory_space<vmem>>, vector<16xi32>,
      tpu.vector_store %arg12[%swap3A_93], %broadcast_in_dim3A_90 {strides = array<i32>} : memref<6272xi32, #tpu.memory_space<vmem>>, vector<16xi32>,
      %scan3A_95 = arith.constant 7 : i32
      %scan3A_96 = arith.addi %scan3A_42, %scan3A_95 : i32
      %broadcast_in_dim3A_97 = arith.constant 0 : i32
      %broadcast_in_dim3A_98 = vector.broadcast %broadcast_in_dim3A_97 : i32 to vector<16xi32>
      %mul3A_99 = arith.constant 16 : i32
      %mul3A_100 = arith.muli %scan3A_96, %mul3A_99 : i32
      %swap3A_101 = arith.index_cast %mul3A_100 : i32 to index
      %swap3A_102 = tpu.vector_load %arg12[%swap3A_101] {strides = array<i32>} : memref<6272xi32, #tpu.memory_space<vmem>>, vector<16xi32>,
      tpu.vector_store %arg12[%swap3A_101], %broadcast_in_dim3A_98 {strides = array<i32>} : memref<6272xi32, #tpu.memory_space<vmem>>, vector<16xi32>,
    }
    %scan3A_4 = arith.constant 392 : i32
    %mul3A = arith.constant 6272 : i32
    %mul3A_5 = arith.muli %arg1, %mul3A : i32
    "tpu.region"() ({
      %run_scoped3A = tpu.sem_alloc : memref<!tpu.dma_semaphore, #tpu.memory_space<semaphore_mem>>
      %dma_start3A = tpu.memref_slice %arg17[%mul3A_5] : memref<100352xi32, #tpu.memory_space<vmem_shared>> -> memref<6272xi32, #tpu.memory_space<vmem_shared>>
      %dma_start3A_42 = tpu.memref_slice %arg17[%mul3A_5] : memref<100352xi32, #tpu.memory_space<vmem_shared>> -> memref<6272xi32, #tpu.memory_space<vmem_shared>>
      tpu.enqueue_dma source(%arg12 : memref<6272xi32, #tpu.memory_space<vmem>>) target(%dma_start3A_42 : memref<6272xi32, #tpu.memory_space<vmem_shared>>) target_semaphore(%run_scoped3A : memref<!tpu.dma_semaphore, #tpu.memory_space<semaphore_mem>>)
      %dma_wait3A = tpu.memref_slice %arg17[%mul3A_5] : memref<100352xi32, #tpu.memory_space<vmem_shared>> -> memref<6272xi32, #tpu.memory_space<vmem_shared>>
      %dma_wait3A_43 = tpu.memref_slice %arg17[%mul3A_5] : memref<100352xi32, #tpu.memory_space<vmem_shared>> -> memref<6272xi32, #tpu.memory_space<vmem_shared>>
      tpu.wait_dma2 semaphore(%run_scoped3A : memref<!tpu.dma_semaphore, #tpu.memory_space<semaphore_mem>>) src(%arg12 : memref<6272xi32, #tpu.memory_space<vmem>>) dst(%dma_wait3A_43 : memref<6272xi32, #tpu.memory_space<vmem_shared>>)
      tpu.yield
    }) : () -> ()
    "tpu.region"() ({
      %run_scoped3A = tpu.sem_alloc : memref<!tpu.dma_semaphore, #tpu.memory_space<semaphore_mem>>
      %dma_start3A = tpu.memref_slice %arg18[%mul3A_5] : memref<100352xi32, #tpu.memory_space<vmem_shared>> -> memref<6272xi32, #tpu.memory_space<vmem_shared>>
      %dma_start3A_42 = tpu.memref_slice %arg18[%mul3A_5] : memref<100352xi32, #tpu.memory_space<vmem_shared>> -> memref<6272xi32, #tpu.memory_space<vmem_shared>>
      tpu.enqueue_dma source(%arg12 : memref<6272xi32, #tpu.memory_space<vmem>>) target(%dma_start3A_42 : memref<6272xi32, #tpu.memory_space<vmem_shared>>) target_semaphore(%run_scoped3A : memref<!tpu.dma_semaphore, #tpu.memory_space<semaphore_mem>>)
      %dma_wait3A = tpu.memref_slice %arg18[%mul3A_5] : memref<100352xi32, #tpu.memory_space<vmem_shared>> -> memref<6272xi32, #tpu.memory_space<vmem_shared>>
      %dma_wait3A_43 = tpu.memref_slice %arg18[%mul3A_5] : memref<100352xi32, #tpu.memory_space<vmem_shared>> -> memref<6272xi32, #tpu.memory_space<vmem_shared>>
      tpu.wait_dma2 semaphore(%run_scoped3A : memref<!tpu.dma_semaphore, #tpu.memory_space<semaphore_mem>>) src(%arg12 : memref<6272xi32, #tpu.memory_space<vmem>>) dst(%dma_wait3A_43 : memref<6272xi32, #tpu.memory_space<vmem_shared>>)
      tpu.yield
    }) : () -> ()
    %scan3A_6 = arith.constant 0 : i32
    %scan3A_7 = arith.constant 0 : i32
    %scan3A_8 = arith.constant 392 : i32
    %scan3A_9 = arith.addi %scan3A_7, %scan3A_8 : i32
    %scan3A_10 = arith.constant 8 : i32
    scf.for %scan3A_42 = %scan3A_7 to %scan3A_9 step %scan3A_10  : i32 {
      %broadcast_in_dim3A = arith.constant -1 : i32
      %broadcast_in_dim3A_43 = vector.broadcast %broadcast_in_dim3A : i32 to vector<16xi32>
      %mul3A_44 = arith.constant 16 : i32
      %mul3A_45 = arith.muli %scan3A_42, %mul3A_44 : i32
      %swap3A = arith.index_cast %mul3A_45 : i32 to index
      %swap3A_46 = tpu.vector_load %arg12[%swap3A] {strides = array<i32>} : memref<6272xi32, #tpu.memory_space<vmem>>, vector<16xi32>,
      tpu.vector_store %arg12[%swap3A], %broadcast_in_dim3A_43 {strides = array<i32>} : memref<6272xi32, #tpu.memory_space<vmem>>, vector<16xi32>,
      %scan3A_47 = arith.constant 1 : i32
      %scan3A_48 = arith.addi %scan3A_42, %scan3A_47 : i32
      %broadcast_in_dim3A_49 = arith.constant -1 : i32
      %broadcast_in_dim3A_50 = vector.broadcast %broadcast_in_dim3A_49 : i32 to vector<16xi32>
      %mul3A_51 = arith.constant 16 : i32
      %mul3A_52 = arith.muli %scan3A_48, %mul3A_51 : i32
      %swap3A_53 = arith.index_cast %mul3A_52 : i32 to index
      %swap3A_54 = tpu.vector_load %arg12[%swap3A_53] {strides = array<i32>} : memref<6272xi32, #tpu.memory_space<vmem>>, vector<16xi32>,
      tpu.vector_store %arg12[%swap3A_53], %broadcast_in_dim3A_50 {strides = array<i32>} : memref<6272xi32, #tpu.memory_space<vmem>>, vector<16xi32>,
      %scan3A_55 = arith.constant 2 : i32
      %scan3A_56 = arith.addi %scan3A_42, %scan3A_55 : i32
      %broadcast_in_dim3A_57 = arith.constant -1 : i32
      %broadcast_in_dim3A_58 = vector.broadcast %broadcast_in_dim3A_57 : i32 to vector<16xi32>
      %mul3A_59 = arith.constant 16 : i32
      %mul3A_60 = arith.muli %scan3A_56, %mul3A_59 : i32
      %swap3A_61 = arith.index_cast %mul3A_60 : i32 to index
      %swap3A_62 = tpu.vector_load %arg12[%swap3A_61] {strides = array<i32>} : memref<6272xi32, #tpu.memory_space<vmem>>, vector<16xi32>,
      tpu.vector_store %arg12[%swap3A_61], %broadcast_in_dim3A_58 {strides = array<i32>} : memref<6272xi32, #tpu.memory_space<vmem>>, vector<16xi32>,
      %scan3A_63 = arith.constant 3 : i32
      %scan3A_64 = arith.addi %scan3A_42, %scan3A_63 : i32
      %broadcast_in_dim3A_65 = arith.constant -1 : i32
      %broadcast_in_dim3A_66 = vector.broadcast %broadcast_in_dim3A_65 : i32 to vector<16xi32>
      %mul3A_67 = arith.constant 16 : i32
      %mul3A_68 = arith.muli %scan3A_64, %mul3A_67 : i32
      %swap3A_69 = arith.index_cast %mul3A_68 : i32 to index
      %swap3A_70 = tpu.vector_load %arg12[%swap3A_69] {strides = array<i32>} : memref<6272xi32, #tpu.memory_space<vmem>>, vector<16xi32>,
      tpu.vector_store %arg12[%swap3A_69], %broadcast_in_dim3A_66 {strides = array<i32>} : memref<6272xi32, #tpu.memory_space<vmem>>, vector<16xi32>,
      %scan3A_71 = arith.constant 4 : i32
      %scan3A_72 = arith.addi %scan3A_42, %scan3A_71 : i32
      %broadcast_in_dim3A_73 = arith.constant -1 : i32
      %broadcast_in_dim3A_74 = vector.broadcast %broadcast_in_dim3A_73 : i32 to vector<16xi32>
      %mul3A_75 = arith.constant 16 : i32
      %mul3A_76 = arith.muli %scan3A_72, %mul3A_75 : i32
      %swap3A_77 = arith.index_cast %mul3A_76 : i32 to index
      %swap3A_78 = tpu.vector_load %arg12[%swap3A_77] {strides = array<i32>} : memref<6272xi32, #tpu.memory_space<vmem>>, vector<16xi32>,
      tpu.vector_store %arg12[%swap3A_77], %broadcast_in_dim3A_74 {strides = array<i32>} : memref<6272xi32, #tpu.memory_space<vmem>>, vector<16xi32>,
      %scan3A_79 = arith.constant 5 : i32
      %scan3A_80 = arith.addi %scan3A_42, %scan3A_79 : i32
      %broadcast_in_dim3A_81 = arith.constant -1 : i32
      %broadcast_in_dim3A_82 = vector.broadcast %broadcast_in_dim3A_81 : i32 to vector<16xi32>
      %mul3A_83 = arith.constant 16 : i32
      %mul3A_84 = arith.muli %scan3A_80, %mul3A_83 : i32
      %swap3A_85 = arith.index_cast %mul3A_84 : i32 to index
      %swap3A_86 = tpu.vector_load %arg12[%swap3A_85] {strides = array<i32>} : memref<6272xi32, #tpu.memory_space<vmem>>, vector<16xi32>,
      tpu.vector_store %arg12[%swap3A_85], %broadcast_in_dim3A_82 {strides = array<i32>} : memref<6272xi32, #tpu.memory_space<vmem>>, vector<16xi32>,
      %scan3A_87 = arith.constant 6 : i32
      %scan3A_88 = arith.addi %scan3A_42, %scan3A_87 : i32
      %broadcast_in_dim3A_89 = arith.constant -1 : i32
      %broadcast_in_dim3A_90 = vector.broadcast %broadcast_in_dim3A_89 : i32 to vector<16xi32>
      %mul3A_91 = arith.constant 16 : i32
      %mul3A_92 = arith.muli %scan3A_88, %mul3A_91 : i32
      %swap3A_93 = arith.index_cast %mul3A_92 : i32 to index
      %swap3A_94 = tpu.vector_load %arg12[%swap3A_93] {strides = array<i32>} : memref<6272xi32, #tpu.memory_space<vmem>>, vector<16xi32>,
      tpu.vector_store %arg12[%swap3A_93], %broadcast_in_dim3A_90 {strides = array<i32>} : memref<6272xi32, #tpu.memory_space<vmem>>, vector<16xi32>,
      %scan3A_95 = arith.constant 7 : i32
      %scan3A_96 = arith.addi %scan3A_42, %scan3A_95 : i32
      %broadcast_in_dim3A_97 = arith.constant -1 : i32
      %broadcast_in_dim3A_98 = vector.broadcast %broadcast_in_dim3A_97 : i32 to vector<16xi32>
      %mul3A_99 = arith.constant 16 : i32
      %mul3A_100 = arith.muli %scan3A_96, %mul3A_99 : i32
      %swap3A_101 = arith.index_cast %mul3A_100 : i32 to index
      %swap3A_102 = tpu.vector_load %arg12[%swap3A_101] {strides = array<i32>} : memref<6272xi32, #tpu.memory_space<vmem>>, vector<16xi32>,
      tpu.vector_store %arg12[%swap3A_101], %broadcast_in_dim3A_98 {strides = array<i32>} : memref<6272xi32, #tpu.memory_space<vmem>>, vector<16xi32>,
    }
    %scan3A_11 = arith.constant 392 : i32
    %eq3A = arith.constant 0 : i32
    %eq3A_12 = arith.cmpi eq, %arg0, %eq3A : i32
    %convert_element_type3A = arith.extui %eq3A_12 : i1 to i32
    %cond3A = arith.constant 0 : i32
    %cond3A_13 = arith.cmpi ne, %convert_element_type3A, %cond3A : i32
    scf.if %cond3A_13 {
      "tpu.region"() ({
        %run_scoped3A = tpu.sem_alloc : memref<!tpu.dma_semaphore, #tpu.memory_space<semaphore_mem>>
        %dma_start3A = tpu.memref_slice %arg19[%mul3A_5] : memref<100352xi32, #tpu.memory_space<vmem_shared>> -> memref<6272xi32, #tpu.memory_space<vmem_shared>>
        %dma_start3A_42 = tpu.memref_slice %arg19[%mul3A_5] : memref<100352xi32, #tpu.memory_space<vmem_shared>> -> memref<6272xi32, #tpu.memory_space<vmem_shared>>
        tpu.enqueue_dma source(%arg12 : memref<6272xi32, #tpu.memory_space<vmem>>) target(%dma_start3A_42 : memref<6272xi32, #tpu.memory_space<vmem_shared>>) target_semaphore(%run_scoped3A : memref<!tpu.dma_semaphore, #tpu.memory_space<semaphore_mem>>)
        %dma_wait3A = tpu.memref_slice %arg19[%mul3A_5] : memref<100352xi32, #tpu.memory_space<vmem_shared>> -> memref<6272xi32, #tpu.memory_space<vmem_shared>>
        %dma_wait3A_43 = tpu.memref_slice %arg19[%mul3A_5] : memref<100352xi32, #tpu.memory_space<vmem_shared>> -> memref<6272xi32, #tpu.memory_space<vmem_shared>>
        tpu.wait_dma2 semaphore(%run_scoped3A : memref<!tpu.dma_semaphore, #tpu.memory_space<semaphore_mem>>) src(%arg12 : memref<6272xi32, #tpu.memory_space<vmem>>) dst(%dma_wait3A_43 : memref<6272xi32, #tpu.memory_space<vmem_shared>>)
        tpu.yield
      }) : () -> ()
    } else {
    }
    %barrier3A = arith.constant 0 : index
    tpu.barrier barrier_id(%barrier3A)
    %mul3A_14 = arith.constant 2 : i32
    %mul3A_15 = arith.muli %arg1, %mul3A_14 : i32
    %add3A = arith.addi %mul3A_15, %arg0 : i32
    %scan3A_16 = arith.constant 0 : i32
    %scan3A_17 = arith.constant 0 : i32
    %scan3A_18 = arith.constant 17 : i32
    %scan3A_19 = arith.addi %scan3A_17, %scan3A_18 : i32
    %scan3A_20 = arith.constant 1 : i32
    scf.for %scan3A_42 = %scan3A_17 to %scan3A_19 step %scan3A_20  : i32 {
      %mul3A_43 = arith.constant 32 : i32
      %mul3A_44 = arith.muli %scan3A_42, %mul3A_43 : i32
      %add3A_45 = arith.addi %add3A, %mul3A_44 : i32
      %lt3A_46 = arith.constant 520 : i32
      %lt3A_47 = arith.cmpi slt, %add3A_45, %lt3A_46 : i32
      %convert_element_type3A_48 = arith.extui %lt3A_47 : i1 to i32
      %cond3A_49 = arith.constant 0 : i32
      %cond3A_50 = arith.cmpi ne, %convert_element_type3A_48, %cond3A_49 : i32
      scf.if %cond3A_50 {
        %mul3A_51 = arith.constant 24 : i32
        %mul3A_52 = arith.muli %add3A_45, %mul3A_51 : i32
        "tpu.region"() ({
          %run_scoped3A = tpu.sem_alloc : memref<!tpu.dma_semaphore, #tpu.memory_space<semaphore_mem>>
          %dma_start3A = arith.constant 0 : i32
          %dma_start3A_65 = tpu.memref_slice %arg2[%mul3A_52, %dma_start3A] : memref<12500x128xi32, #tpu.memory_space<hbm>> -> memref<24x128xi32, #tpu.memory_space<hbm>>
          %dma_start3A_66 = arith.constant 0 : i32
          %dma_start3A_67 = tpu.memref_slice %arg2[%mul3A_52, %dma_start3A_66] : memref<12500x128xi32, #tpu.memory_space<hbm>> -> memref<24x128xi32, #tpu.memory_space<hbm>>
          tpu.enqueue_dma source(%dma_start3A_67 : memref<24x128xi32, #tpu.memory_space<hbm>>) target(%arg13 : memref<24x128xi32, #tpu.memory_space<vmem>>) target_semaphore(%run_scoped3A : memref<!tpu.dma_semaphore, #tpu.memory_space<semaphore_mem>>)
          %dma_wait3A = arith.constant 0 : i32
          %dma_wait3A_68 = tpu.memref_slice %arg2[%mul3A_52, %dma_wait3A] : memref<12500x128xi32, #tpu.memory_space<hbm>> -> memref<24x128xi32, #tpu.memory_space<hbm>>
          %dma_wait3A_69 = arith.constant 0 : i32
          %dma_wait3A_70 = tpu.memref_slice %arg2[%mul3A_52, %dma_wait3A_69] : memref<12500x128xi32, #tpu.memory_space<hbm>> -> memref<24x128xi32, #tpu.memory_space<hbm>>
          tpu.wait_dma2 semaphore(%run_scoped3A : memref<!tpu.dma_semaphore, #tpu.memory_space<semaphore_mem>>) src(%dma_wait3A_70 : memref<24x128xi32, #tpu.memory_space<hbm>>) dst(%arg13 : memref<24x128xi32, #tpu.memory_space<vmem>>)
          tpu.yield
        }) : () -> ()
        "tpu.region"() ({
          %run_scoped3A = tpu.sem_alloc : memref<!tpu.dma_semaphore, #tpu.memory_space<semaphore_mem>>
          %dma_start3A = arith.constant 0 : i32
          %dma_start3A_65 = tpu.memref_slice %arg3[%mul3A_52, %dma_start3A] : memref<12500x128xi32, #tpu.memory_space<hbm>> -> memref<24x128xi32, #tpu.memory_space<hbm>>
          %dma_start3A_66 = arith.constant 0 : i32
          %dma_start3A_67 = tpu.memref_slice %arg3[%mul3A_52, %dma_start3A_66] : memref<12500x128xi32, #tpu.memory_space<hbm>> -> memref<24x128xi32, #tpu.memory_space<hbm>>
          tpu.enqueue_dma source(%dma_start3A_67 : memref<24x128xi32, #tpu.memory_space<hbm>>) target(%arg14 : memref<24x128xi32, #tpu.memory_space<vmem>>) target_semaphore(%run_scoped3A : memref<!tpu.dma_semaphore, #tpu.memory_space<semaphore_mem>>)
          %dma_wait3A = arith.constant 0 : i32
          %dma_wait3A_68 = tpu.memref_slice %arg3[%mul3A_52, %dma_wait3A] : memref<12500x128xi32, #tpu.memory_space<hbm>> -> memref<24x128xi32, #tpu.memory_space<hbm>>
          %dma_wait3A_69 = arith.constant 0 : i32
          %dma_wait3A_70 = tpu.memref_slice %arg3[%mul3A_52, %dma_wait3A_69] : memref<12500x128xi32, #tpu.memory_space<hbm>> -> memref<24x128xi32, #tpu.memory_space<hbm>>
          tpu.wait_dma2 semaphore(%run_scoped3A : memref<!tpu.dma_semaphore, #tpu.memory_space<semaphore_mem>>) src(%dma_wait3A_70 : memref<24x128xi32, #tpu.memory_space<hbm>>) dst(%arg14 : memref<24x128xi32, #tpu.memory_space<vmem>>)
          tpu.yield
        }) : () -> ()
        %scan3A_53 = arith.constant 0 : i32
        %scan3A_54 = arith.constant 0 : i32
        %scan3A_55 = arith.constant 24 : i32
        %scan3A_56 = arith.addi %scan3A_54, %scan3A_55 : i32
        %scan3A_57 = arith.constant 1 : i32
        scf.for %scan3A_65 = %scan3A_54 to %scan3A_56 step %scan3A_57  : i32 {
          %dma_start3A = arith.constant 0 : i32
          %dma_start3A_66 = tpu.memref_slice %arg13[%scan3A_65, %dma_start3A] : memref<24x128xi32, #tpu.memory_space<vmem>> -> memref<1x128xi32, #tpu.memory_space<vmem>>
          %dma_start3A_67 = tpu.memref_squeeze %dma_start3A_66 : memref<1x128xi32, #tpu.memory_space<vmem>> -> memref<128xi32, #tpu.memory_space<vmem>>
          %dma_start3A_68 = arith.constant 0 : i32
          %dma_start3A_69 = tpu.memref_slice %arg17[%dma_start3A_68] : memref<100352xi32, #tpu.memory_space<vmem_shared>> -> memref<100352xi32, #tpu.memory_space<vmem_shared>>
          tpu.enqueue_indirect_dma source(%arg16 : memref<128xi32, #tpu.memory_space<vmem>>) target(%dma_start3A_69 : memref<100352xi32, #tpu.memory_space<vmem_shared>>) offsets(%dma_start3A_67 : memref<128xi32, #tpu.memory_space<vmem>>) semaphore(%arg20 : memref<!tpu.dma_semaphore, #tpu.memory_space<semaphore_mem>>)
          %dma_start3A_70 = arith.constant 0 : i32
          %dma_start3A_71 = tpu.memref_slice %arg14[%scan3A_65, %dma_start3A_70] : memref<24x128xi32, #tpu.memory_space<vmem>> -> memref<1x128xi32, #tpu.memory_space<vmem>>
          %dma_start3A_72 = tpu.memref_squeeze %dma_start3A_71 : memref<1x128xi32, #tpu.memory_space<vmem>> -> memref<128xi32, #tpu.memory_space<vmem>>
          %dma_start3A_73 = arith.constant 0 : i32
          %dma_start3A_74 = tpu.memref_slice %arg18[%dma_start3A_73] : memref<100352xi32, #tpu.memory_space<vmem_shared>> -> memref<100352xi32, #tpu.memory_space<vmem_shared>>
          tpu.enqueue_indirect_dma source(%arg16 : memref<128xi32, #tpu.memory_space<vmem>>) target(%dma_start3A_74 : memref<100352xi32, #tpu.memory_space<vmem_shared>>) offsets(%dma_start3A_72 : memref<128xi32, #tpu.memory_space<vmem>>) semaphore(%arg20 : memref<!tpu.dma_semaphore, #tpu.memory_space<semaphore_mem>>)
        }
        %scan3A_58 = arith.constant 24 : i32
        %scan3A_59 = arith.constant 0 : i32
        %scan3A_60 = arith.constant 0 : i32
        %scan3A_61 = arith.constant 24 : i32
        %scan3A_62 = arith.addi %scan3A_60, %scan3A_61 : i32
        %scan3A_63 = arith.constant 1 : i32
        scf.for %scan3A_65 = %scan3A_60 to %scan3A_62 step %scan3A_63  : i32 {
          %dma_wait3A = arith.constant 0 : i32
          %dma_wait3A_66 = tpu.memref_slice %arg13[%scan3A_65, %dma_wait3A] : memref<24x128xi32, #tpu.memory_space<vmem>> -> memref<1x128xi32, #tpu.memory_space<vmem>>
          %dma_wait3A_67 = tpu.memref_squeeze %dma_wait3A_66 : memref<1x128xi32, #tpu.memory_space<vmem>> -> memref<128xi32, #tpu.memory_space<vmem>>
          %dma_wait3A_68 = arith.constant 0 : i32
          %dma_wait3A_69 = tpu.memref_slice %arg17[%dma_wait3A_68] : memref<100352xi32, #tpu.memory_space<vmem_shared>> -> memref<100352xi32, #tpu.memory_space<vmem_shared>>
          tpu.wait_indirect_dma semaphore(%arg20 : memref<!tpu.dma_semaphore, #tpu.memory_space<semaphore_mem>>) src(%arg16 : memref<128xi32, #tpu.memory_space<vmem>>) dst(%dma_wait3A_69 : memref<100352xi32, #tpu.memory_space<vmem_shared>>)
          %dma_wait3A_70 = arith.constant 0 : i32
          %dma_wait3A_71 = tpu.memref_slice %arg14[%scan3A_65, %dma_wait3A_70] : memref<24x128xi32, #tpu.memory_space<vmem>> -> memref<1x128xi32, #tpu.memory_space<vmem>>
          %dma_wait3A_72 = tpu.memref_squeeze %dma_wait3A_71 : memref<1x128xi32, #tpu.memory_space<vmem>> -> memref<128xi32, #tpu.memory_space<vmem>>
          %dma_wait3A_73 = arith.constant 0 : i32
          %dma_wait3A_74 = tpu.memref_slice %arg18[%dma_wait3A_73] : memref<100352xi32, #tpu.memory_space<vmem_shared>> -> memref<100352xi32, #tpu.memory_space<vmem_shared>>
          tpu.wait_indirect_dma semaphore(%arg20 : memref<!tpu.dma_semaphore, #tpu.memory_space<semaphore_mem>>) src(%arg16 : memref<128xi32, #tpu.memory_space<vmem>>) dst(%dma_wait3A_74 : memref<100352xi32, #tpu.memory_space<vmem_shared>>)
        }
        %scan3A_64 = arith.constant 24 : i32
      } else {
      }
    }
    %scan3A_21 = arith.constant 17 : i32
    %lt3A = arith.constant 20 : i32
    %lt3A_22 = arith.cmpi slt, %add3A, %lt3A : i32
    %convert_element_type3A_23 = arith.extui %lt3A_22 : i1 to i32
    %cond3A_24 = arith.constant 0 : i32
    %cond3A_25 = arith.cmpi ne, %convert_element_type3A_23, %cond3A_24 : i32
    scf.if %cond3A_25 {
      %add3A_42 = arith.constant 12480 : i32
      %add3A_43 = arith.addi %add3A_42, %add3A : i32
      "tpu.region"() ({
        %run_scoped3A_45 = tpu.sem_alloc : memref<!tpu.dma_semaphore, #tpu.memory_space<semaphore_mem>>
        %dma_start3A = arith.constant 0 : i32
        %dma_start3A_46 = arith.constant 0 : i32
        %dma_start3A_47 = tpu.memref_slice %arg13[%dma_start3A, %dma_start3A_46] : memref<24x128xi32, #tpu.memory_space<vmem>> -> memref<1x128xi32, #tpu.memory_space<vmem>>
        %dma_start3A_48 = arith.constant 0 : i32
        %dma_start3A_49 = tpu.memref_slice %arg2[%add3A_43, %dma_start3A_48] : memref<12500x128xi32, #tpu.memory_space<hbm>> -> memref<1x128xi32, #tpu.memory_space<hbm>>
        %dma_start3A_50 = arith.constant 0 : i32
        %dma_start3A_51 = arith.constant 0 : i32
        %dma_start3A_52 = tpu.memref_slice %arg13[%dma_start3A_50, %dma_start3A_51] : memref<24x128xi32, #tpu.memory_space<vmem>> -> memref<1x128xi32, #tpu.memory_space<vmem>>
        %dma_start3A_53 = arith.constant 0 : i32
        %dma_start3A_54 = tpu.memref_slice %arg2[%add3A_43, %dma_start3A_53] : memref<12500x128xi32, #tpu.memory_space<hbm>> -> memref<1x128xi32, #tpu.memory_space<hbm>>
        tpu.enqueue_dma source(%dma_start3A_54 : memref<1x128xi32, #tpu.memory_space<hbm>>) target(%dma_start3A_52 : memref<1x128xi32, #tpu.memory_space<vmem>>) target_semaphore(%run_scoped3A_45 : memref<!tpu.dma_semaphore, #tpu.memory_space<semaphore_mem>>)
        %dma_wait3A = arith.constant 0 : i32
        %dma_wait3A_55 = arith.constant 0 : i32
        %dma_wait3A_56 = tpu.memref_slice %arg13[%dma_wait3A, %dma_wait3A_55] : memref<24x128xi32, #tpu.memory_space<vmem>> -> memref<1x128xi32, #tpu.memory_space<vmem>>
        %dma_wait3A_57 = arith.constant 0 : i32
        %dma_wait3A_58 = tpu.memref_slice %arg2[%add3A_43, %dma_wait3A_57] : memref<12500x128xi32, #tpu.memory_space<hbm>> -> memref<1x128xi32, #tpu.memory_space<hbm>>
        %dma_wait3A_59 = arith.constant 0 : i32
        %dma_wait3A_60 = arith.constant 0 : i32
        %dma_wait3A_61 = tpu.memref_slice %arg13[%dma_wait3A_59, %dma_wait3A_60] : memref<24x128xi32, #tpu.memory_space<vmem>> -> memref<1x128xi32, #tpu.memory_space<vmem>>
        %dma_wait3A_62 = arith.constant 0 : i32
        %dma_wait3A_63 = tpu.memref_slice %arg2[%add3A_43, %dma_wait3A_62] : memref<12500x128xi32, #tpu.memory_space<hbm>> -> memref<1x128xi32, #tpu.memory_space<hbm>>
        tpu.wait_dma2 semaphore(%run_scoped3A_45 : memref<!tpu.dma_semaphore, #tpu.memory_space<semaphore_mem>>) src(%dma_wait3A_63 : memref<1x128xi32, #tpu.memory_space<hbm>>) dst(%dma_wait3A_61 : memref<1x128xi32, #tpu.memory_space<vmem>>)
        tpu.yield
      }) : () -> ()
      "tpu.region"() ({
        %run_scoped3A_45 = tpu.sem_alloc : memref<!tpu.dma_semaphore, #tpu.memory_space<semaphore_mem>>
        %dma_start3A = arith.constant 0 : i32
        %dma_start3A_46 = arith.constant 0 : i32
        %dma_start3A_47 = tpu.memref_slice %arg14[%dma_start3A, %dma_start3A_46] : memref<24x128xi32, #tpu.memory_space<vmem>> -> memref<1x128xi32, #tpu.memory_space<vmem>>
        %dma_start3A_48 = arith.constant 0 : i32
        %dma_start3A_49 = tpu.memref_slice %arg3[%add3A_43, %dma_start3A_48] : memref<12500x128xi32, #tpu.memory_space<hbm>> -> memref<1x128xi32, #tpu.memory_space<hbm>>
        %dma_start3A_50 = arith.constant 0 : i32
        %dma_start3A_51 = arith.constant 0 : i32
        %dma_start3A_52 = tpu.memref_slice %arg14[%dma_start3A_50, %dma_start3A_51] : memref<24x128xi32, #tpu.memory_space<vmem>> -> memref<1x128xi32, #tpu.memory_space<vmem>>
        %dma_start3A_53 = arith.constant 0 : i32
        %dma_start3A_54 = tpu.memref_slice %arg3[%add3A_43, %dma_start3A_53] : memref<12500x128xi32, #tpu.memory_space<hbm>> -> memref<1x128xi32, #tpu.memory_space<hbm>>
        tpu.enqueue_dma source(%dma_start3A_54 : memref<1x128xi32, #tpu.memory_space<hbm>>) target(%dma_start3A_52 : memref<1x128xi32, #tpu.memory_space<vmem>>) target_semaphore(%run_scoped3A_45 : memref<!tpu.dma_semaphore, #tpu.memory_space<semaphore_mem>>)
        %dma_wait3A = arith.constant 0 : i32
        %dma_wait3A_55 = arith.constant 0 : i32
        %dma_wait3A_56 = tpu.memref_slice %arg14[%dma_wait3A, %dma_wait3A_55] : memref<24x128xi32, #tpu.memory_space<vmem>> -> memref<1x128xi32, #tpu.memory_space<vmem>>
        %dma_wait3A_57 = arith.constant 0 : i32
        %dma_wait3A_58 = tpu.memref_slice %arg3[%add3A_43, %dma_wait3A_57] : memref<12500x128xi32, #tpu.memory_space<hbm>> -> memref<1x128xi32, #tpu.memory_space<hbm>>
        %dma_wait3A_59 = arith.constant 0 : i32
        %dma_wait3A_60 = arith.constant 0 : i32
        %dma_wait3A_61 = tpu.memref_slice %arg14[%dma_wait3A_59, %dma_wait3A_60] : memref<24x128xi32, #tpu.memory_space<vmem>> -> memref<1x128xi32, #tpu.memory_space<vmem>>
        %dma_wait3A_62 = arith.constant 0 : i32
        %dma_wait3A_63 = tpu.memref_slice %arg3[%add3A_43, %dma_wait3A_62] : memref<12500x128xi32, #tpu.memory_space<hbm>> -> memref<1x128xi32, #tpu.memory_space<hbm>>
        tpu.wait_dma2 semaphore(%run_scoped3A_45 : memref<!tpu.dma_semaphore, #tpu.memory_space<semaphore_mem>>) src(%dma_wait3A_63 : memref<1x128xi32, #tpu.memory_space<hbm>>) dst(%dma_wait3A_61 : memref<1x128xi32, #tpu.memory_space<vmem>>)
        tpu.yield
      }) : () -> ()
      %run_scoped3A = arith.constant 0 : i32
      "tpu.region"() ({
        %run_scoped3A_45 = tpu.sem_alloc : memref<!tpu.dma_semaphore, #tpu.memory_space<semaphore_mem>>
        %dma_start3A = arith.constant 0 : i32
        %dma_start3A_46 = tpu.memref_slice %arg13[%run_scoped3A, %dma_start3A] : memref<24x128xi32, #tpu.memory_space<vmem>> -> memref<1x128xi32, #tpu.memory_space<vmem>>
        %dma_start3A_47 = tpu.memref_squeeze %dma_start3A_46 : memref<1x128xi32, #tpu.memory_space<vmem>> -> memref<128xi32, #tpu.memory_space<vmem>>
        %dma_start3A_48 = arith.constant 0 : i32
        %dma_start3A_49 = tpu.memref_slice %arg17[%dma_start3A_48] : memref<100352xi32, #tpu.memory_space<vmem_shared>> -> memref<100352xi32, #tpu.memory_space<vmem_shared>>
        tpu.enqueue_indirect_dma source(%arg16 : memref<128xi32, #tpu.memory_space<vmem>>) target(%dma_start3A_49 : memref<100352xi32, #tpu.memory_space<vmem_shared>>) offsets(%dma_start3A_47 : memref<128xi32, #tpu.memory_space<vmem>>) semaphore(%run_scoped3A_45 : memref<!tpu.dma_semaphore, #tpu.memory_space<semaphore_mem>>)
        %dma_wait3A = arith.constant 0 : i32
        %dma_wait3A_50 = tpu.memref_slice %arg13[%run_scoped3A, %dma_wait3A] : memref<24x128xi32, #tpu.memory_space<vmem>> -> memref<1x128xi32, #tpu.memory_space<vmem>>
        %dma_wait3A_51 = tpu.memref_squeeze %dma_wait3A_50 : memref<1x128xi32, #tpu.memory_space<vmem>> -> memref<128xi32, #tpu.memory_space<vmem>>
        %dma_wait3A_52 = arith.constant 0 : i32
        %dma_wait3A_53 = tpu.memref_slice %arg17[%dma_wait3A_52] : memref<100352xi32, #tpu.memory_space<vmem_shared>> -> memref<100352xi32, #tpu.memory_space<vmem_shared>>
        tpu.wait_indirect_dma semaphore(%run_scoped3A_45 : memref<!tpu.dma_semaphore, #tpu.memory_space<semaphore_mem>>) src(%arg16 : memref<128xi32, #tpu.memory_space<vmem>>) dst(%dma_wait3A_53 : memref<100352xi32, #tpu.memory_space<vmem_shared>>)
        tpu.yield
      }) : () -> ()
      %run_scoped3A_44 = arith.constant 0 : i32
      "tpu.region"() ({
        %run_scoped3A_45 = tpu.sem_alloc : memref<!tpu.dma_semaphore, #tpu.memory_space<semaphore_mem>>
        %dma_start3A = arith.constant 0 : i32
        %dma_start3A_46 = tpu.memref_slice %arg14[%run_scoped3A_44, %dma_start3A] : memref<24x128xi32, #tpu.memory_space<vmem>> -> memref<1x128xi32, #tpu.memory_space<vmem>>
        %dma_start3A_47 = tpu.memref_squeeze %dma_start3A_46 : memref<1x128xi32, #tpu.memory_space<vmem>> -> memref<128xi32, #tpu.memory_space<vmem>>
        %dma_start3A_48 = arith.constant 0 : i32
        %dma_start3A_49 = tpu.memref_slice %arg18[%dma_start3A_48] : memref<100352xi32, #tpu.memory_space<vmem_shared>> -> memref<100352xi32, #tpu.memory_space<vmem_shared>>
        tpu.enqueue_indirect_dma source(%arg16 : memref<128xi32, #tpu.memory_space<vmem>>) target(%dma_start3A_49 : memref<100352xi32, #tpu.memory_space<vmem_shared>>) offsets(%dma_start3A_47 : memref<128xi32, #tpu.memory_space<vmem>>) semaphore(%run_scoped3A_45 : memref<!tpu.dma_semaphore, #tpu.memory_space<semaphore_mem>>)
        %dma_wait3A = arith.constant 0 : i32
        %dma_wait3A_50 = tpu.memref_slice %arg14[%run_scoped3A_44, %dma_wait3A] : memref<24x128xi32, #tpu.memory_space<vmem>> -> memref<1x128xi32, #tpu.memory_space<vmem>>
        %dma_wait3A_51 = tpu.memref_squeeze %dma_wait3A_50 : memref<1x128xi32, #tpu.memory_space<vmem>> -> memref<128xi32, #tpu.memory_space<vmem>>
        %dma_wait3A_52 = arith.constant 0 : i32
        %dma_wait3A_53 = tpu.memref_slice %arg18[%dma_wait3A_52] : memref<100352xi32, #tpu.memory_space<vmem_shared>> -> memref<100352xi32, #tpu.memory_space<vmem_shared>>
        tpu.wait_indirect_dma semaphore(%run_scoped3A_45 : memref<!tpu.dma_semaphore, #tpu.memory_space<semaphore_mem>>) src(%arg16 : memref<128xi32, #tpu.memory_space<vmem>>) dst(%dma_wait3A_53 : memref<100352xi32, #tpu.memory_space<vmem_shared>>)
        tpu.yield
      }) : () -> ()
    } else {
    }
    %eq3A_26 = arith.constant 0 : i32
    %eq3A_27 = arith.cmpi eq, %arg0, %eq3A_26 : i32
    %convert_element_type3A_28 = arith.extui %eq3A_27 : i1 to i32
    %cond3A_29 = arith.constant 0 : i32
    %cond3A_30 = arith.cmpi ne, %convert_element_type3A_28, %cond3A_29 : i32
    scf.if %cond3A_30 {
      %mul3A_42 = arith.constant 25 : i32
      %mul3A_43 = arith.muli %arg1, %mul3A_42 : i32
      %sub3A = arith.constant 391 : i32
      %sub3A_44 = arith.subi %sub3A, %mul3A_43 : i32
      %min3A = arith.constant 25 : i32
      %min3A_45 = arith.minsi %sub3A_44, %min3A : i32
      %gt3A = arith.constant 0 : i32
      %gt3A_46 = arith.cmpi sgt, %min3A_45, %gt3A : i32
      %convert_element_type3A_47 = arith.extui %gt3A_46 : i1 to i32
      %cond3A_48 = arith.constant 0 : i32
      %cond3A_49 = arith.cmpi ne, %convert_element_type3A_47, %cond3A_48 : i32
      scf.if %cond3A_49 {
        %while3A = arith.constant 0 : i32
        %while3A_50 = arith.constant 0 : i32
        %while3A_51 = arith.subi %min3A_45, %while3A_50 : i32
        %while3A_52 = arith.addi %while3A_50, %while3A_51 : i32
        %while3A_53 = arith.constant 1 : i32
        %while3A_54 = arith.divsi %while3A_51, %while3A_53 : i32
        %while3A_55 = arith.muli %while3A_54, %while3A_53 : i32
        %while3A_56 = arith.addi %while3A_50, %while3A_55 : i32
        %while3A_57 = arith.constant 1 : i32
        scf.for %while3A_59 = %while3A_50 to %while3A_56 step %while3A_57  : i32 {
          %add3A_60 = arith.addi %mul3A_43, %while3A_59 : i32
          "tpu.region"() ({
            %run_scoped3A_62 = tpu.sem_alloc : memref<!tpu.dma_semaphore, #tpu.memory_space<semaphore_mem>>
            %dma_start3A = arith.constant 0 : i32
            %dma_start3A_63 = arith.constant 0 : i32
            %dma_start3A_64 = tpu.memref_slice %arg13[%dma_start3A, %dma_start3A_63] : memref<24x128xi32, #tpu.memory_space<vmem>> -> memref<1x128xi32, #tpu.memory_space<vmem>>
            %dma_start3A_65 = arith.constant 0 : i32
            %dma_start3A_66 = tpu.memref_slice %arg4[%add3A_60, %dma_start3A_65] : memref<391x128xi32, #tpu.memory_space<hbm>> -> memref<1x128xi32, #tpu.memory_space<hbm>>
            %dma_start3A_67 = arith.constant 0 : i32
            %dma_start3A_68 = arith.constant 0 : i32
            %dma_start3A_69 = tpu.memref_slice %arg13[%dma_start3A_67, %dma_start3A_68] : memref<24x128xi32, #tpu.memory_space<vmem>> -> memref<1x128xi32, #tpu.memory_space<vmem>>
            %dma_start3A_70 = arith.constant 0 : i32
            %dma_start3A_71 = tpu.memref_slice %arg4[%add3A_60, %dma_start3A_70] : memref<391x128xi32, #tpu.memory_space<hbm>> -> memref<1x128xi32, #tpu.memory_space<hbm>>
            tpu.enqueue_dma source(%dma_start3A_71 : memref<1x128xi32, #tpu.memory_space<hbm>>) target(%dma_start3A_69 : memref<1x128xi32, #tpu.memory_space<vmem>>) target_semaphore(%run_scoped3A_62 : memref<!tpu.dma_semaphore, #tpu.memory_space<semaphore_mem>>)
            %dma_wait3A = arith.constant 0 : i32
            %dma_wait3A_72 = arith.constant 0 : i32
            %dma_wait3A_73 = tpu.memref_slice %arg13[%dma_wait3A, %dma_wait3A_72] : memref<24x128xi32, #tpu.memory_space<vmem>> -> memref<1x128xi32, #tpu.memory_space<vmem>>
            %dma_wait3A_74 = arith.constant 0 : i32
            %dma_wait3A_75 = tpu.memref_slice %arg4[%add3A_60, %dma_wait3A_74] : memref<391x128xi32, #tpu.memory_space<hbm>> -> memref<1x128xi32, #tpu.memory_space<hbm>>
            %dma_wait3A_76 = arith.constant 0 : i32
            %dma_wait3A_77 = arith.constant 0 : i32
            %dma_wait3A_78 = tpu.memref_slice %arg13[%dma_wait3A_76, %dma_wait3A_77] : memref<24x128xi32, #tpu.memory_space<vmem>> -> memref<1x128xi32, #tpu.memory_space<vmem>>
            %dma_wait3A_79 = arith.constant 0 : i32
            %dma_wait3A_80 = tpu.memref_slice %arg4[%add3A_60, %dma_wait3A_79] : memref<391x128xi32, #tpu.memory_space<hbm>> -> memref<1x128xi32, #tpu.memory_space<hbm>>
            tpu.wait_dma2 semaphore(%run_scoped3A_62 : memref<!tpu.dma_semaphore, #tpu.memory_space<semaphore_mem>>) src(%dma_wait3A_80 : memref<1x128xi32, #tpu.memory_space<hbm>>) dst(%dma_wait3A_78 : memref<1x128xi32, #tpu.memory_space<vmem>>)
            tpu.yield
          }) : () -> ()
          "tpu.region"() ({
            %run_scoped3A_62 = tpu.sem_alloc : memref<!tpu.dma_semaphore, #tpu.memory_space<semaphore_mem>>
            %dma_start3A = arith.constant 0 : i32
            %dma_start3A_63 = tpu.memref_slice %arg5[%add3A_60, %dma_start3A] : memref<391x128xi32, #tpu.memory_space<hbm>> -> memref<1x128xi32, #tpu.memory_space<hbm>>
            %dma_start3A_64 = arith.constant 0 : i32
            %dma_start3A_65 = tpu.memref_slice %arg5[%add3A_60, %dma_start3A_64] : memref<391x128xi32, #tpu.memory_space<hbm>> -> memref<1x128xi32, #tpu.memory_space<hbm>>
            tpu.enqueue_dma source(%dma_start3A_65 : memref<1x128xi32, #tpu.memory_space<hbm>>) target(%arg15 : memref<1x128xi32, #tpu.memory_space<vmem>>) target_semaphore(%run_scoped3A_62 : memref<!tpu.dma_semaphore, #tpu.memory_space<semaphore_mem>>)
            %dma_wait3A = arith.constant 0 : i32
            %dma_wait3A_66 = tpu.memref_slice %arg5[%add3A_60, %dma_wait3A] : memref<391x128xi32, #tpu.memory_space<hbm>> -> memref<1x128xi32, #tpu.memory_space<hbm>>
            %dma_wait3A_67 = arith.constant 0 : i32
            %dma_wait3A_68 = tpu.memref_slice %arg5[%add3A_60, %dma_wait3A_67] : memref<391x128xi32, #tpu.memory_space<hbm>> -> memref<1x128xi32, #tpu.memory_space<hbm>>
            tpu.wait_dma2 semaphore(%run_scoped3A_62 : memref<!tpu.dma_semaphore, #tpu.memory_space<semaphore_mem>>) src(%dma_wait3A_68 : memref<1x128xi32, #tpu.memory_space<hbm>>) dst(%arg15 : memref<1x128xi32, #tpu.memory_space<vmem>>)
            tpu.yield
          }) : () -> ()
          %run_scoped3A = arith.constant 0 : i32
          %run_scoped3A_61 = arith.constant 0 : i32
          "tpu.region"() ({
            %run_scoped3A_62 = tpu.sem_alloc : memref<!tpu.dma_semaphore, #tpu.memory_space<semaphore_mem>>
            %dma_start3A = arith.constant 0 : i32
            %dma_start3A_63 = tpu.memref_slice %arg15[%run_scoped3A, %dma_start3A] : memref<1x128xi32, #tpu.memory_space<vmem>> -> memref<1x128xi32, #tpu.memory_space<vmem>>
            %dma_start3A_64 = tpu.memref_squeeze %dma_start3A_63 : memref<1x128xi32, #tpu.memory_space<vmem>> -> memref<128xi32, #tpu.memory_space<vmem>>
            %dma_start3A_65 = arith.constant 0 : i32
            %dma_start3A_66 = tpu.memref_slice %arg13[%run_scoped3A_61, %dma_start3A_65] : memref<24x128xi32, #tpu.memory_space<vmem>> -> memref<1x128xi32, #tpu.memory_space<vmem>>
            %dma_start3A_67 = tpu.memref_squeeze %dma_start3A_66 : memref<1x128xi32, #tpu.memory_space<vmem>> -> memref<128xi32, #tpu.memory_space<vmem>>
            %dma_start3A_68 = arith.constant 0 : i32
            %dma_start3A_69 = tpu.memref_slice %arg19[%dma_start3A_68] : memref<100352xi32, #tpu.memory_space<vmem_shared>> -> memref<100352xi32, #tpu.memory_space<vmem_shared>>
            tpu.enqueue_indirect_dma source(%dma_start3A_64 : memref<128xi32, #tpu.memory_space<vmem>>) target(%dma_start3A_69 : memref<100352xi32, #tpu.memory_space<vmem_shared>>) offsets(%dma_start3A_67 : memref<128xi32, #tpu.memory_space<vmem>>) semaphore(%run_scoped3A_62 : memref<!tpu.dma_semaphore, #tpu.memory_space<semaphore_mem>>)
            %dma_wait3A = arith.constant 0 : i32
            %dma_wait3A_70 = tpu.memref_slice %arg15[%run_scoped3A, %dma_wait3A] : memref<1x128xi32, #tpu.memory_space<vmem>> -> memref<1x128xi32, #tpu.memory_space<vmem>>
            %dma_wait3A_71 = tpu.memref_squeeze %dma_wait3A_70 : memref<1x128xi32, #tpu.memory_space<vmem>> -> memref<128xi32, #tpu.memory_space<vmem>>
            %dma_wait3A_72 = arith.constant 0 : i32
            %dma_wait3A_73 = tpu.memref_slice %arg13[%run_scoped3A_61, %dma_wait3A_72] : memref<24x128xi32, #tpu.memory_space<vmem>> -> memref<1x128xi32, #tpu.memory_space<vmem>>
            %dma_wait3A_74 = tpu.memref_squeeze %dma_wait3A_73 : memref<1x128xi32, #tpu.memory_space<vmem>> -> memref<128xi32, #tpu.memory_space<vmem>>
            %dma_wait3A_75 = arith.constant 0 : i32
            %dma_wait3A_76 = tpu.memref_slice %arg19[%dma_wait3A_75] : memref<100352xi32, #tpu.memory_space<vmem_shared>> -> memref<100352xi32, #tpu.memory_space<vmem_shared>>
            tpu.wait_indirect_dma semaphore(%run_scoped3A_62 : memref<!tpu.dma_semaphore, #tpu.memory_space<semaphore_mem>>) src(%dma_wait3A_71 : memref<128xi32, #tpu.memory_space<vmem>>) dst(%dma_wait3A_76 : memref<100352xi32, #tpu.memory_space<vmem_shared>>)
            tpu.yield
          }) : () -> ()
        }
        %while3A_58 = arith.constant 1 : i32
        scf.for %while3A_59 = %while3A_56 to %while3A_52 step %while3A_58  : i32 {
          %add3A_60 = arith.addi %mul3A_43, %while3A_59 : i32
          "tpu.region"() ({
            %run_scoped3A_62 = tpu.sem_alloc : memref<!tpu.dma_semaphore, #tpu.memory_space<semaphore_mem>>
            %dma_start3A = arith.constant 0 : i32
            %dma_start3A_63 = arith.constant 0 : i32
            %dma_start3A_64 = tpu.memref_slice %arg13[%dma_start3A, %dma_start3A_63] : memref<24x128xi32, #tpu.memory_space<vmem>> -> memref<1x128xi32, #tpu.memory_space<vmem>>
            %dma_start3A_65 = arith.constant 0 : i32
            %dma_start3A_66 = tpu.memref_slice %arg4[%add3A_60, %dma_start3A_65] : memref<391x128xi32, #tpu.memory_space<hbm>> -> memref<1x128xi32, #tpu.memory_space<hbm>>
            %dma_start3A_67 = arith.constant 0 : i32
            %dma_start3A_68 = arith.constant 0 : i32
            %dma_start3A_69 = tpu.memref_slice %arg13[%dma_start3A_67, %dma_start3A_68] : memref<24x128xi32, #tpu.memory_space<vmem>> -> memref<1x128xi32, #tpu.memory_space<vmem>>
            %dma_start3A_70 = arith.constant 0 : i32
            %dma_start3A_71 = tpu.memref_slice %arg4[%add3A_60, %dma_start3A_70] : memref<391x128xi32, #tpu.memory_space<hbm>> -> memref<1x128xi32, #tpu.memory_space<hbm>>
            tpu.enqueue_dma source(%dma_start3A_71 : memref<1x128xi32, #tpu.memory_space<hbm>>) target(%dma_start3A_69 : memref<1x128xi32, #tpu.memory_space<vmem>>) target_semaphore(%run_scoped3A_62 : memref<!tpu.dma_semaphore, #tpu.memory_space<semaphore_mem>>)
            %dma_wait3A = arith.constant 0 : i32
            %dma_wait3A_72 = arith.constant 0 : i32
            %dma_wait3A_73 = tpu.memref_slice %arg13[%dma_wait3A, %dma_wait3A_72] : memref<24x128xi32, #tpu.memory_space<vmem>> -> memref<1x128xi32, #tpu.memory_space<vmem>>
            %dma_wait3A_74 = arith.constant 0 : i32
            %dma_wait3A_75 = tpu.memref_slice %arg4[%add3A_60, %dma_wait3A_74] : memref<391x128xi32, #tpu.memory_space<hbm>> -> memref<1x128xi32, #tpu.memory_space<hbm>>
            %dma_wait3A_76 = arith.constant 0 : i32
            %dma_wait3A_77 = arith.constant 0 : i32
            %dma_wait3A_78 = tpu.memref_slice %arg13[%dma_wait3A_76, %dma_wait3A_77] : memref<24x128xi32, #tpu.memory_space<vmem>> -> memref<1x128xi32, #tpu.memory_space<vmem>>
            %dma_wait3A_79 = arith.constant 0 : i32
            %dma_wait3A_80 = tpu.memref_slice %arg4[%add3A_60, %dma_wait3A_79] : memref<391x128xi32, #tpu.memory_space<hbm>> -> memref<1x128xi32, #tpu.memory_space<hbm>>
            tpu.wait_dma2 semaphore(%run_scoped3A_62 : memref<!tpu.dma_semaphore, #tpu.memory_space<semaphore_mem>>) src(%dma_wait3A_80 : memref<1x128xi32, #tpu.memory_space<hbm>>) dst(%dma_wait3A_78 : memref<1x128xi32, #tpu.memory_space<vmem>>)
            tpu.yield
          }) : () -> ()
          "tpu.region"() ({
            %run_scoped3A_62 = tpu.sem_alloc : memref<!tpu.dma_semaphore, #tpu.memory_space<semaphore_mem>>
            %dma_start3A = arith.constant 0 : i32
            %dma_start3A_63 = tpu.memref_slice %arg5[%add3A_60, %dma_start3A] : memref<391x128xi32, #tpu.memory_space<hbm>> -> memref<1x128xi32, #tpu.memory_space<hbm>>
            %dma_start3A_64 = arith.constant 0 : i32
            %dma_start3A_65 = tpu.memref_slice %arg5[%add3A_60, %dma_start3A_64] : memref<391x128xi32, #tpu.memory_space<hbm>> -> memref<1x128xi32, #tpu.memory_space<hbm>>
            tpu.enqueue_dma source(%dma_start3A_65 : memref<1x128xi32, #tpu.memory_space<hbm>>) target(%arg15 : memref<1x128xi32, #tpu.memory_space<vmem>>) target_semaphore(%run_scoped3A_62 : memref<!tpu.dma_semaphore, #tpu.memory_space<semaphore_mem>>)
            %dma_wait3A = arith.constant 0 : i32
            %dma_wait3A_66 = tpu.memref_slice %arg5[%add3A_60, %dma_wait3A] : memref<391x128xi32, #tpu.memory_space<hbm>> -> memref<1x128xi32, #tpu.memory_space<hbm>>
            %dma_wait3A_67 = arith.constant 0 : i32
            %dma_wait3A_68 = tpu.memref_slice %arg5[%add3A_60, %dma_wait3A_67] : memref<391x128xi32, #tpu.memory_space<hbm>> -> memref<1x128xi32, #tpu.memory_space<hbm>>
            tpu.wait_dma2 semaphore(%run_scoped3A_62 : memref<!tpu.dma_semaphore, #tpu.memory_space<semaphore_mem>>) src(%dma_wait3A_68 : memref<1x128xi32, #tpu.memory_space<hbm>>) dst(%arg15 : memref<1x128xi32, #tpu.memory_space<vmem>>)
            tpu.yield
          }) : () -> ()
          %run_scoped3A = arith.constant 0 : i32
          %run_scoped3A_61 = arith.constant 0 : i32
          "tpu.region"() ({
            %run_scoped3A_62 = tpu.sem_alloc : memref<!tpu.dma_semaphore, #tpu.memory_space<semaphore_mem>>
            %dma_start3A = arith.constant 0 : i32
            %dma_start3A_63 = tpu.memref_slice %arg15[%run_scoped3A, %dma_start3A] : memref<1x128xi32, #tpu.memory_space<vmem>> -> memref<1x128xi32, #tpu.memory_space<vmem>>
            %dma_start3A_64 = tpu.memref_squeeze %dma_start3A_63 : memref<1x128xi32, #tpu.memory_space<vmem>> -> memref<128xi32, #tpu.memory_space<vmem>>
            %dma_start3A_65 = arith.constant 0 : i32
            %dma_start3A_66 = tpu.memref_slice %arg13[%run_scoped3A_61, %dma_start3A_65] : memref<24x128xi32, #tpu.memory_space<vmem>> -> memref<1x128xi32, #tpu.memory_space<vmem>>
            %dma_start3A_67 = tpu.memref_squeeze %dma_start3A_66 : memref<1x128xi32, #tpu.memory_space<vmem>> -> memref<128xi32, #tpu.memory_space<vmem>>
            %dma_start3A_68 = arith.constant 0 : i32
            %dma_start3A_69 = tpu.memref_slice %arg19[%dma_start3A_68] : memref<100352xi32, #tpu.memory_space<vmem_shared>> -> memref<100352xi32, #tpu.memory_space<vmem_shared>>
            tpu.enqueue_indirect_dma source(%dma_start3A_64 : memref<128xi32, #tpu.memory_space<vmem>>) target(%dma_start3A_69 : memref<100352xi32, #tpu.memory_space<vmem_shared>>) offsets(%dma_start3A_67 : memref<128xi32, #tpu.memory_space<vmem>>) semaphore(%run_scoped3A_62 : memref<!tpu.dma_semaphore, #tpu.memory_space<semaphore_mem>>)
            %dma_wait3A = arith.constant 0 : i32
            %dma_wait3A_70 = tpu.memref_slice %arg15[%run_scoped3A, %dma_wait3A] : memref<1x128xi32, #tpu.memory_space<vmem>> -> memref<1x128xi32, #tpu.memory_space<vmem>>
            %dma_wait3A_71 = tpu.memref_squeeze %dma_wait3A_70 : memref<1x128xi32, #tpu.memory_space<vmem>> -> memref<128xi32, #tpu.memory_space<vmem>>
            %dma_wait3A_72 = arith.constant 0 : i32
            %dma_wait3A_73 = tpu.memref_slice %arg13[%run_scoped3A_61, %dma_wait3A_72] : memref<24x128xi32, #tpu.memory_space<vmem>> -> memref<1x128xi32, #tpu.memory_space<vmem>>
            %dma_wait3A_74 = tpu.memref_squeeze %dma_wait3A_73 : memref<1x128xi32, #tpu.memory_space<vmem>> -> memref<128xi32, #tpu.memory_space<vmem>>
            %dma_wait3A_75 = arith.constant 0 : i32
            %dma_wait3A_76 = tpu.memref_slice %arg19[%dma_wait3A_75] : memref<100352xi32, #tpu.memory_space<vmem_shared>> -> memref<100352xi32, #tpu.memory_space<vmem_shared>>
            tpu.wait_indirect_dma semaphore(%run_scoped3A_62 : memref<!tpu.dma_semaphore, #tpu.memory_space<semaphore_mem>>) src(%dma_wait3A_71 : memref<128xi32, #tpu.memory_space<vmem>>) dst(%dma_wait3A_76 : memref<100352xi32, #tpu.memory_space<vmem_shared>>)
            tpu.yield
          }) : () -> ()
        }
      } else {
      }
    } else {
    }
    %barrier3A_31 = arith.constant 0 : index
    tpu.barrier barrier_id(%barrier3A_31)
    %eq3A_32 = arith.constant 0 : i32
    %eq3A_33 = arith.cmpi eq, %arg0, %eq3A_32 : i32
    %convert_element_type3A_34 = arith.extui %eq3A_33 : i1 to i32
    %cond3A_35 = arith.constant 0 : i32
    %cond3A_36 = arith.cmpi ne, %convert_element_type3A_34, %cond3A_35 : i32
    scf.if %cond3A_36 {
      "tpu.region"() ({
        %run_scoped3A = tpu.sem_alloc : memref<!tpu.dma_semaphore, #tpu.memory_space<semaphore_mem>>
        %dma_start3A = tpu.memref_slice %arg7[%mul3A_5] : memref<100352xi32, #tpu.memory_space<hbm>> -> memref<6272xi32, #tpu.memory_space<hbm>>
        %dma_start3A_42 = tpu.memref_slice %arg17[%mul3A_5] : memref<100352xi32, #tpu.memory_space<vmem_shared>> -> memref<6272xi32, #tpu.memory_space<vmem_shared>>
        tpu.enqueue_dma source(%dma_start3A_42 : memref<6272xi32, #tpu.memory_space<vmem_shared>>) target(%dma_start3A : memref<6272xi32, #tpu.memory_space<hbm>>) target_semaphore(%run_scoped3A : memref<!tpu.dma_semaphore, #tpu.memory_space<semaphore_mem>>)
        %dma_wait3A = tpu.memref_slice %arg7[%mul3A_5] : memref<100352xi32, #tpu.memory_space<hbm>> -> memref<6272xi32, #tpu.memory_space<hbm>>
        %dma_wait3A_43 = tpu.memref_slice %arg17[%mul3A_5] : memref<100352xi32, #tpu.memory_space<vmem_shared>> -> memref<6272xi32, #tpu.memory_space<vmem_shared>>
        tpu.wait_dma2 semaphore(%run_scoped3A : memref<!tpu.dma_semaphore, #tpu.memory_space<semaphore_mem>>) src(%dma_wait3A_43 : memref<6272xi32, #tpu.memory_space<vmem_shared>>) dst(%dma_wait3A : memref<6272xi32, #tpu.memory_space<hbm>>)
        tpu.yield
      }) : () -> ()
      "tpu.region"() ({
        %run_scoped3A = tpu.sem_alloc : memref<!tpu.dma_semaphore, #tpu.memory_space<semaphore_mem>>
        %dma_start3A = tpu.memref_slice %arg9[%mul3A_5] : memref<100352xi32, #tpu.memory_space<hbm>> -> memref<6272xi32, #tpu.memory_space<hbm>>
        %dma_start3A_42 = tpu.memref_slice %arg18[%mul3A_5] : memref<100352xi32, #tpu.memory_space<vmem_shared>> -> memref<6272xi32, #tpu.memory_space<vmem_shared>>
        tpu.enqueue_dma source(%dma_start3A_42 : memref<6272xi32, #tpu.memory_space<vmem_shared>>) target(%dma_start3A : memref<6272xi32, #tpu.memory_space<hbm>>) target_semaphore(%run_scoped3A : memref<!tpu.dma_semaphore, #tpu.memory_space<semaphore_mem>>)
        %dma_wait3A = tpu.memref_slice %arg9[%mul3A_5] : memref<100352xi32, #tpu.memory_space<hbm>> -> memref<6272xi32, #tpu.memory_space<hbm>>
        %dma_wait3A_43 = tpu.memref_slice %arg18[%mul3A_5] : memref<100352xi32, #tpu.memory_space<vmem_shared>> -> memref<6272xi32, #tpu.memory_space<vmem_shared>>
        tpu.wait_dma2 semaphore(%run_scoped3A : memref<!tpu.dma_semaphore, #tpu.memory_space<semaphore_mem>>) src(%dma_wait3A_43 : memref<6272xi32, #tpu.memory_space<vmem_shared>>) dst(%dma_wait3A : memref<6272xi32, #tpu.memory_space<hbm>>)
        tpu.yield
      }) : () -> ()
      "tpu.region"() ({
        %run_scoped3A = tpu.sem_alloc : memref<!tpu.dma_semaphore, #tpu.memory_space<semaphore_mem>>
        %dma_start3A = tpu.memref_slice %arg11[%mul3A_5] : memref<100352xi32, #tpu.memory_space<hbm>> -> memref<6272xi32, #tpu.memory_space<hbm>>
        %dma_start3A_42 = tpu.memref_slice %arg19[%mul3A_5] : memref<100352xi32, #tpu.memory_space<vmem_shared>> -> memref<6272xi32, #tpu.memory_space<vmem_shared>>
        tpu.enqueue_dma source(%dma_start3A_42 : memref<6272xi32, #tpu.memory_space<vmem_shared>>) target(%dma_start3A : memref<6272xi32, #tpu.memory_space<hbm>>) target_semaphore(%run_scoped3A : memref<!tpu.dma_semaphore, #tpu.memory_space<semaphore_mem>>)
        %dma_wait3A = tpu.memref_slice %arg11[%mul3A_5] : memref<100352xi32, #tpu.memory_space<hbm>> -> memref<6272xi32, #tpu.memory_space<hbm>>
        %dma_wait3A_43 = tpu.memref_slice %arg19[%mul3A_5] : memref<100352xi32, #tpu.memory_space<vmem_shared>> -> memref<6272xi32, #tpu.memory_space<vmem_shared>>
        tpu.wait_dma2 semaphore(%run_scoped3A : memref<!tpu.dma_semaphore, #tpu.memory_space<semaphore_mem>>) src(%dma_wait3A_43 : memref<6272xi32, #tpu.memory_space<vmem_shared>>) dst(%dma_wait3A : memref<6272xi32, #tpu.memory_space<hbm>>)
        tpu.yield
      }) : () -> ()
    } else {
    }
    %eq3A_37 = arith.constant 1 : i32
    %eq3A_38 = arith.cmpi eq, %arg0, %eq3A_37 : i32
    %convert_element_type3A_39 = arith.extui %eq3A_38 : i1 to i32
    %cond3A_40 = arith.constant 0 : i32
    %cond3A_41 = arith.cmpi ne, %convert_element_type3A_39, %cond3A_40 : i32
    scf.if %cond3A_41 {
      "tpu.region"() ({
        %run_scoped3A = tpu.sem_alloc : memref<!tpu.dma_semaphore, #tpu.memory_space<semaphore_mem>>
        %dma_start3A = tpu.memref_slice %arg8[%mul3A_5] : memref<100352xi32, #tpu.memory_space<hbm>> -> memref<6272xi32, #tpu.memory_space<hbm>>
        %dma_start3A_42 = tpu.memref_slice %arg17[%mul3A_5] : memref<100352xi32, #tpu.memory_space<vmem_shared>> -> memref<6272xi32, #tpu.memory_space<vmem_shared>>
        tpu.enqueue_dma source(%dma_start3A_42 : memref<6272xi32, #tpu.memory_space<vmem_shared>>) target(%dma_start3A : memref<6272xi32, #tpu.memory_space<hbm>>) target_semaphore(%run_scoped3A : memref<!tpu.dma_semaphore, #tpu.memory_space<semaphore_mem>>)
        %dma_wait3A = tpu.memref_slice %arg8[%mul3A_5] : memref<100352xi32, #tpu.memory_space<hbm>> -> memref<6272xi32, #tpu.memory_space<hbm>>
        %dma_wait3A_43 = tpu.memref_slice %arg17[%mul3A_5] : memref<100352xi32, #tpu.memory_space<vmem_shared>> -> memref<6272xi32, #tpu.memory_space<vmem_shared>>
        tpu.wait_dma2 semaphore(%run_scoped3A : memref<!tpu.dma_semaphore, #tpu.memory_space<semaphore_mem>>) src(%dma_wait3A_43 : memref<6272xi32, #tpu.memory_space<vmem_shared>>) dst(%dma_wait3A : memref<6272xi32, #tpu.memory_space<hbm>>)
        tpu.yield
      }) : () -> ()
      "tpu.region"() ({
        %run_scoped3A = tpu.sem_alloc : memref<!tpu.dma_semaphore, #tpu.memory_space<semaphore_mem>>
        %dma_start3A = tpu.memref_slice %arg10[%mul3A_5] : memref<100352xi32, #tpu.memory_space<hbm>> -> memref<6272xi32, #tpu.memory_space<hbm>>
        %dma_start3A_42 = tpu.memref_slice %arg18[%mul3A_5] : memref<100352xi32, #tpu.memory_space<vmem_shared>> -> memref<6272xi32, #tpu.memory_space<vmem_shared>>
        tpu.enqueue_dma source(%dma_start3A_42 : memref<6272xi32, #tpu.memory_space<vmem_shared>>) target(%dma_start3A : memref<6272xi32, #tpu.memory_space<hbm>>) target_semaphore(%run_scoped3A : memref<!tpu.dma_semaphore, #tpu.memory_space<semaphore_mem>>)
        %dma_wait3A = tpu.memref_slice %arg10[%mul3A_5] : memref<100352xi32, #tpu.memory_space<hbm>> -> memref<6272xi32, #tpu.memory_space<hbm>>
        %dma_wait3A_43 = tpu.memref_slice %arg18[%mul3A_5] : memref<100352xi32, #tpu.memory_space<vmem_shared>> -> memref<6272xi32, #tpu.memory_space<vmem_shared>>
        tpu.wait_dma2 semaphore(%run_scoped3A : memref<!tpu.dma_semaphore, #tpu.memory_space<semaphore_mem>>) src(%dma_wait3A_43 : memref<6272xi32, #tpu.memory_space<vmem_shared>>) dst(%dma_wait3A : memref<6272xi32, #tpu.memory_space<hbm>>)
        tpu.yield
      }) : () -> ()
    } else {
    }
    return
  }
}

module attributes {stable_mosaic.version = 14 : i64} {
  func.func @_tc_rank_body(%arg0: memref<784x128xi32, #tpu.memory_space<vmem>>, %arg1: memref<784x128xi32, #tpu.memory_space<vmem>>, %arg2: memref<784x128xi32, #tpu.memory_space<vmem>>, %arg3: memref<784x128xi32, #tpu.memory_space<vmem>>, %arg4: memref<784x128xi32, #tpu.memory_space<vmem>>, %arg5: memref<784x128xi32, #tpu.memory_space<vmem>>) attributes {dimension_semantics = [], scalar_prefetch = 0 : i64, scratch_operands = 0 : i64, tpu.core_type = #tpu.core_type<tc>} {
    %get3A = arith.constant 0 : index
    %get3A_0 = arith.constant 0 : index
    %get3A_1 = vector.load %arg0[%get3A, %get3A_0] : memref<784x128xi32, #tpu.memory_space<vmem>>, vector<784x128xi32>
    %get3A_2 = arith.constant 0 : index
    %get3A_3 = arith.constant 0 : index
    %get3A_4 = vector.load %arg1[%get3A_2, %get3A_3] : memref<784x128xi32, #tpu.memory_space<vmem>>, vector<784x128xi32>
    %add3A = arith.addi %get3A_1, %get3A_4 : vector<784x128xi32>
    %gt3A = arith.constant 0 : i32
    %gt3A_5 = vector.broadcast %gt3A : i32 to vector<784x128xi32>
    %gt3A_6 = arith.cmpi sgt, %add3A, %gt3A_5 : vector<784x128xi32>
    %convert_element_type3A = arith.extui %gt3A_6 : vector<784x128xi1> to vector<784x128xi32>
    %convert_element_type3A_7 = arith.sitofp %convert_element_type3A : vector<784x128xi32> to vector<784x128xf32>
    %get3A_8 = arith.constant 0 : index
    %get3A_9 = arith.constant 0 : index
    %get3A_10 = vector.load %arg2[%get3A_8, %get3A_9] : memref<784x128xi32, #tpu.memory_space<vmem>>, vector<784x128xi32>
    %get3A_11 = arith.constant 0 : index
    %get3A_12 = arith.constant 0 : index
    %get3A_13 = vector.load %arg3[%get3A_11, %get3A_12] : memref<784x128xi32, #tpu.memory_space<vmem>>, vector<784x128xi32>
    %add3A_14 = arith.addi %get3A_10, %get3A_13 : vector<784x128xi32>
    %gt3A_15 = arith.constant 0 : i32
    %gt3A_16 = vector.broadcast %gt3A_15 : i32 to vector<784x128xi32>
    %gt3A_17 = arith.cmpi sgt, %add3A_14, %gt3A_16 : vector<784x128xi32>
    %convert_element_type3A_18 = arith.extui %gt3A_17 : vector<784x128xi1> to vector<784x128xi32>
    %convert_element_type3A_19 = arith.sitofp %convert_element_type3A_18 : vector<784x128xi32> to vector<784x128xf32>
    %iota3A = tpu.iota {dimensions = array<i32: 0>} : vector<128x128xi32>
    %iota3A_20 = tpu.iota {dimensions = array<i32: 1>} : vector<128x128xi32>
    %le3A = arith.cmpi sle, %iota3A, %iota3A_20 : vector<128x128xi32>
    %convert_element_type3A_21 = arith.extui %le3A : vector<128x128xi1> to vector<128x128xi32>
    %convert_element_type3A_22 = arith.sitofp %convert_element_type3A_21 : vector<128x128xi32> to vector<128x128xf32>
    %iota3A_23 = tpu.iota {dimensions = array<i32: 0>} : vector<784x784xi32>
    %iota3A_24 = tpu.iota {dimensions = array<i32: 1>} : vector<784x784xi32>
    %gt3A_25 = arith.cmpi sgt, %iota3A_23, %iota3A_24 : vector<784x784xi32>
    %convert_element_type3A_26 = arith.extui %gt3A_25 : vector<784x784xi1> to vector<784x784xi32>
    %convert_element_type3A_27 = arith.sitofp %convert_element_type3A_26 : vector<784x784xi32> to vector<784x784xf32>
    %dot_general3A = arith.constant dense<0.000000e+00> : vector<784x128xf32>
    %dot_general3A_28 = tpu.matmul %convert_element_type3A_7, %convert_element_type3A_22, %dot_general3A {dimension_numbers = #tpu.dot_dimension_numbers<[1], [0], [0], [1], [0, 0, 1, 1], [], []>, transpose_lhs_hint = false} : vector<784x128xf32>, vector<128x128xf32>, vector<784x128xf32> -> vector<784x128xf32>
    %dot_general3A_29 = arith.constant dense<0.000000e+00> : vector<784x128xf32>
    %dot_general3A_30 = tpu.matmul %convert_element_type3A_19, %convert_element_type3A_22, %dot_general3A_29 {dimension_numbers = #tpu.dot_dimension_numbers<[1], [0], [0], [1], [0, 0, 1, 1], [], []>, transpose_lhs_hint = false} : vector<784x128xf32>, vector<128x128xf32>, vector<784x128xf32> -> vector<784x128xf32>
    %slice3A = vector.extract_strided_slice %dot_general3A_28 {offsets = [0, 127], sizes = [784, 1], strides = [1, 1]} : vector<784x128xf32> to vector<784x1xf32>
    %slice3A_31 = vector.extract_strided_slice %dot_general3A_30 {offsets = [0, 127], sizes = [784, 1], strides = [1, 1]} : vector<784x128xf32> to vector<784x1xf32>
    %dot_general3A_32 = arith.constant dense<0.000000e+00> : vector<784x1xf32>
    %dot_general3A_33 = tpu.matmul %convert_element_type3A_27, %slice3A, %dot_general3A_32 {dimension_numbers = #tpu.dot_dimension_numbers<[1], [0], [0], [1], [0, 0, 1, 1], [], []>, transpose_lhs_hint = false} : vector<784x784xf32>, vector<784x1xf32>, vector<784x1xf32> -> vector<784x1xf32>
    %dot_general3A_34 = arith.constant dense<0.000000e+00> : vector<784x1xf32>
    %dot_general3A_35 = tpu.matmul %convert_element_type3A_27, %slice3A_31, %dot_general3A_34 {dimension_numbers = #tpu.dot_dimension_numbers<[1], [0], [0], [1], [0, 0, 1, 1], [], []>, transpose_lhs_hint = false} : vector<784x784xf32>, vector<784x1xf32>, vector<784x1xf32> -> vector<784x1xf32>
    %slice3A_36 = vector.extract_strided_slice %dot_general3A_33 {offsets = [783, 0], sizes = [1, 1], strides = [1, 1]} : vector<784x1xf32> to vector<1x1xf32>
    %slice3A_37 = vector.extract_strided_slice %slice3A {offsets = [783, 0], sizes = [1, 1], strides = [1, 1]} : vector<784x1xf32> to vector<1x1xf32>
    %add3A_38 = arith.addf %slice3A_36, %slice3A_37 : vector<1x1xf32>
    %convert_element_type3A_39 = arith.fptosi %add3A_38 : vector<1x1xf32> to vector<1x1xi32>
    %add3A_40 = vector.broadcast %dot_general3A_33 : vector<784x1xf32> to vector<784x128xf32>
    %add3A_41 = arith.addf %dot_general3A_28, %add3A_40 : vector<784x128xf32>
    %convert_element_type3A_42 = arith.fptosi %add3A_41 : vector<784x128xf32> to vector<784x128xi32>
    %sub3A = arith.constant 1 : i32
    %sub3A_43 = vector.broadcast %sub3A : i32 to vector<784x128xi32>
    %sub3A_44 = arith.subi %convert_element_type3A_42, %sub3A_43 : vector<784x128xi32>
    %swap3A = arith.constant 0 : index
    %swap3A_45 = arith.constant 0 : index
    %swap3A_46 = vector.load %arg4[%swap3A, %swap3A_45] : memref<784x128xi32, #tpu.memory_space<vmem>>, vector<784x128xi32>
    tpu.vector_store %arg4[%swap3A, %swap3A_45], %sub3A_44 {strides = array<i32>} : memref<784x128xi32, #tpu.memory_space<vmem>>, vector<784x128xi32>,
    %add3A_47 = vector.broadcast %dot_general3A_35 : vector<784x1xf32> to vector<784x128xf32>
    %add3A_48 = arith.addf %dot_general3A_30, %add3A_47 : vector<784x128xf32>
    %convert_element_type3A_49 = arith.fptosi %add3A_48 : vector<784x128xf32> to vector<784x128xi32>
    %sub3A_50 = arith.constant 1 : i32
    %sub3A_51 = vector.broadcast %sub3A_50 : i32 to vector<784x128xi32>
    %sub3A_52 = arith.subi %convert_element_type3A_49, %sub3A_51 : vector<784x128xi32>
    %add3A_53 = vector.broadcast %convert_element_type3A_39 : vector<1x1xi32> to vector<784x128xi32>
    %add3A_54 = arith.addi %sub3A_52, %add3A_53 : vector<784x128xi32>
    %swap3A_55 = arith.constant 0 : index
    %swap3A_56 = arith.constant 0 : index
    %swap3A_57 = vector.load %arg5[%swap3A_55, %swap3A_56] : memref<784x128xi32, #tpu.memory_space<vmem>>, vector<784x128xi32>
    tpu.vector_store %arg5[%swap3A_55, %swap3A_56], %add3A_54 {strides = array<i32>} : memref<784x128xi32, #tpu.memory_space<vmem>>, vector<784x128xi32>,
    return
  }
}

module attributes {stable_mosaic.version = 14 : i64} {
  func.func @_emask_body(%arg0: i32, %arg1: memref<256x128xf32, #tpu.memory_space<vmem>>, %arg2: memref<256x128xi32, #tpu.memory_space<vmem>>, %arg3: memref<256x128xi32, #tpu.memory_space<vmem>>, %arg4: memref<256x128xi32, #tpu.memory_space<vmem>>, %arg5: memref<256x128xi32, #tpu.memory_space<vmem>>, %arg6: memref<256x128xf32, #tpu.memory_space<vmem>>) attributes {dimension_semantics = [#tpu.dimension_semantics<arbitrary>], iteration_bounds = array<i64: 49>, scalar_prefetch = 0 : i64, scratch_operands = 0 : i64, tpu.core_type = #tpu.core_type<tc>, window_params = [{transform_indices = @transform_0, window_bounds = array<i64: 256, 128>}, {transform_indices = @transform_1, window_bounds = array<i64: 256, 128>}, {transform_indices = @transform_2, window_bounds = array<i64: 256, 128>}, {transform_indices = @transform_3, window_bounds = array<i64: 256, 128>}, {transform_indices = @transform_4, window_bounds = array<i64: 256, 128>}, {transform_indices = @transform_5, window_bounds = array<i64: 256, 128>}]} {
    %get3A = arith.constant 0 : index
    %get3A_0 = arith.constant 0 : index
    %get3A_1 = vector.load %arg2[%get3A, %get3A_0] : memref<256x128xi32, #tpu.memory_space<vmem>>, vector<256x128xi32>
    %get3A_2 = arith.constant 0 : index
    %get3A_3 = arith.constant 0 : index
    %get3A_4 = vector.load %arg3[%get3A_2, %get3A_3] : memref<256x128xi32, #tpu.memory_space<vmem>>, vector<256x128xi32>
    %ge3A = arith.constant 0 : i32
    %ge3A_5 = vector.broadcast %ge3A : i32 to vector<256x128xi32>
    %ge3A_6 = arith.cmpi sge, %get3A_1, %ge3A_5 : vector<256x128xi32>
    %ge3A_7 = arith.constant 0 : i32
    %ge3A_8 = vector.broadcast %ge3A_7 : i32 to vector<256x128xi32>
    %ge3A_9 = arith.cmpi sge, %get3A_4, %ge3A_8 : vector<256x128xi32>
    %and3A = arith.andi %ge3A_6, %ge3A_9 : vector<256x128xi1>
    %broadcast_in_dim3A = arith.constant -1 : i32
    %broadcast_in_dim3A_10 = vector.broadcast %broadcast_in_dim3A : i32 to vector<256x128xi32>
    %select_n3A = arith.select %and3A, %get3A_1, %broadcast_in_dim3A_10 : vector<256x128xi1>, vector<256x128xi32>
    %swap3A = arith.constant 0 : index
    %swap3A_11 = arith.constant 0 : index
    %swap3A_12 = vector.load %arg4[%swap3A, %swap3A_11] : memref<256x128xi32, #tpu.memory_space<vmem>>, vector<256x128xi32>
    tpu.vector_store %arg4[%swap3A, %swap3A_11], %select_n3A {strides = array<i32>} : memref<256x128xi32, #tpu.memory_space<vmem>>, vector<256x128xi32>,
    %select_n3A_13 = arith.select %and3A, %get3A_4, %broadcast_in_dim3A_10 : vector<256x128xi1>, vector<256x128xi32>
    %swap3A_14 = arith.constant 0 : index
    %swap3A_15 = arith.constant 0 : index
    %swap3A_16 = vector.load %arg5[%swap3A_14, %swap3A_15] : memref<256x128xi32, #tpu.memory_space<vmem>>, vector<256x128xi32>
    tpu.vector_store %arg5[%swap3A_14, %swap3A_15], %select_n3A_13 {strides = array<i32>} : memref<256x128xi32, #tpu.memory_space<vmem>>, vector<256x128xi32>,
    %get3A_17 = arith.constant 0 : index
    %get3A_18 = arith.constant 0 : index
    %get3A_19 = vector.load %arg1[%get3A_17, %get3A_18] : memref<256x128xf32, #tpu.memory_space<vmem>>, vector<256x128xf32>
    %broadcast_in_dim3A_20 = arith.constant 1.000000e+09 : f32
    %broadcast_in_dim3A_21 = vector.broadcast %broadcast_in_dim3A_20 : f32 to vector<256x128xf32>
    %select_n3A_22 = arith.select %and3A, %get3A_19, %broadcast_in_dim3A_21 : vector<256x128xi1>, vector<256x128xf32>
    %swap3A_23 = arith.constant 0 : index
    %swap3A_24 = arith.constant 0 : index
    %swap3A_25 = vector.load %arg6[%swap3A_23, %swap3A_24] : memref<256x128xf32, #tpu.memory_space<vmem>>, vector<256x128xf32>
    tpu.vector_store %arg6[%swap3A_23, %swap3A_24], %select_n3A_22 {strides = array<i32>} : memref<256x128xf32, #tpu.memory_space<vmem>>, vector<256x128xf32>,
    return
  }
  func.func @transform_0(%arg0: i32) -> (i32, i32) {
    %c0_i32 = arith.constant 0 : i32
    %c0_i32_0 = arith.constant 0 : i32
    return %arg0, %c0_i32 : i32, i32
  }
  func.func @transform_1(%arg0: i32) -> (i32, i32) {
    %c0_i32 = arith.constant 0 : i32
    %c0_i32_0 = arith.constant 0 : i32
    return %arg0, %c0_i32 : i32, i32
  }
  func.func @transform_2(%arg0: i32) -> (i32, i32) {
    %c0_i32 = arith.constant 0 : i32
    %c0_i32_0 = arith.constant 0 : i32
    return %arg0, %c0_i32 : i32, i32
  }
  func.func @transform_3(%arg0: i32) -> (i32, i32) {
    %c0_i32 = arith.constant 0 : i32
    %c0_i32_0 = arith.constant 0 : i32
    return %arg0, %c0_i32 : i32, i32
  }
  func.func @transform_4(%arg0: i32) -> (i32, i32) {
    %c0_i32 = arith.constant 0 : i32
    %c0_i32_0 = arith.constant 0 : i32
    return %arg0, %c0_i32 : i32, i32
  }
  func.func @transform_5(%arg0: i32) -> (i32, i32) {
    %c0_i32 = arith.constant 0 : i32
    %c0_i32_0 = arith.constant 0 : i32
    return %arg0, %c0_i32 : i32, i32
  }
}

module attributes {stable_mosaic.version = 14 : i64} {
  func.func @_edge_body(%arg0: i32, %arg1: memref<16x128xf32, #tpu.memory_space<vmem>>, %arg2: memref<2048x9xf32, #tpu.memory_space<vmem>>, %arg3: memref<2048x16xf32, #tpu.memory_space<vmem>>, %arg4: memref<2048x128xf32, #tpu.memory_space<vmem>>, %arg5: memref<2048x41xf32, #tpu.memory_space<vmem>>) attributes {dimension_semantics = [#tpu.dimension_semantics<arbitrary>], iteration_bounds = array<i64: 782>, scalar_prefetch = 0 : i64, scratch_operands = 0 : i64, tpu.core_type = #tpu.core_type<tc>, window_params = [{transform_indices = @transform_0, window_bounds = array<i64: 16, 128>}, {transform_indices = @transform_1, window_bounds = array<i64: 2048, 9>}, {pipeline_mode = #tpu.pipeline_mode<synchronous>, transform_indices = @transform_2, window_bounds = array<i64: 2048, 16>}, {pipeline_mode = #tpu.pipeline_mode<synchronous>, transform_indices = @transform_3, window_bounds = array<i64: 2048, 128>}, {transform_indices = @transform_4, window_bounds = array<i64: 2048, 41>}]} {
    %get3A = arith.constant 0 : index
    %get3A_0 = arith.constant 0 : index
    %get3A_1 = vector.load %arg1[%get3A, %get3A_0] : memref<16x128xf32, #tpu.memory_space<vmem>>, vector<16x128xf32>
    %get3A_2 = arith.constant 0 : index
    %get3A_3 = arith.constant 0 : index
    %get3A_4 = vector.load %arg3[%get3A_2, %get3A_3] : memref<2048x16xf32, #tpu.memory_space<vmem>>, vector<2048x16xf32>
    %dot_general3A = arith.constant dense<0.000000e+00> : vector<2048x128xf32>
    %dot_general3A_5 = tpu.matmul %get3A_4, %get3A_1, %dot_general3A {dimension_numbers = #tpu.dot_dimension_numbers<[1], [0], [0], [1], [0, 0, 1, 1], [], []>, precision = #tpu.contract_precision<fp32>, transpose_lhs_hint = false} : vector<2048x16xf32>, vector<16x128xf32>, vector<2048x128xf32> -> vector<2048x128xf32>
    %get3A_6 = arith.constant 0 : index
    %get3A_7 = arith.constant 0 : index
    %get3A_8 = vector.load %arg4[%get3A_6, %get3A_7] : memref<2048x128xf32, #tpu.memory_space<vmem>>, vector<2048x128xf32>
    %mul3A = arith.mulf %dot_general3A_5, %get3A_8 : vector<2048x128xf32>
    %broadcast_in_dim3A = arith.constant 1.000000e+00 : f32
    %broadcast_in_dim3A_9 = vector.broadcast %broadcast_in_dim3A : f32 to vector<128x1xf32>
    %dot_general3A_10 = arith.constant dense<0.000000e+00> : vector<2048x1xf32>
    %dot_general3A_11 = tpu.matmul %mul3A, %broadcast_in_dim3A_9, %dot_general3A_10 {dimension_numbers = #tpu.dot_dimension_numbers<[1], [0], [0], [1], [0, 0, 1, 1], [], []>, precision = #tpu.contract_precision<fp32>, transpose_lhs_hint = false} : vector<2048x128xf32>, vector<128x1xf32>, vector<2048x1xf32> -> vector<2048x1xf32>
    %lt3A = arith.constant 1.000000e+08 : f32
    %lt3A_12 = vector.broadcast %lt3A : f32 to vector<2048x1xf32>
    %lt3A_13 = arith.cmpf olt, %dot_general3A_11, %lt3A_12 : vector<2048x1xf32>
    %convert_element_type3A = arith.extui %lt3A_13 : vector<2048x1xi1> to vector<2048x1xi32>
    %convert_element_type3A_14 = arith.sitofp %convert_element_type3A : vector<2048x1xi32> to vector<2048x1xf32>
    %iota3A = tpu.iota {dimensions = array<i32: 1>} : vector<1x32xi32>
    %convert_element_type3A_15 = arith.sitofp %iota3A : vector<1x32xi32> to vector<1x32xf32>
    %mul3A_16 = arith.constant 0.161290318 : f32
    %mul3A_17 = vector.broadcast %mul3A_16 : f32 to vector<1x32xf32>
    %mul3A_18 = arith.mulf %convert_element_type3A_15, %mul3A_17 : vector<1x32xf32>
    %sub3A = vector.broadcast %dot_general3A_11 : vector<2048x1xf32> to vector<2048x32xf32>
    %sub3A_19 = vector.broadcast %mul3A_18 : vector<1x32xf32> to vector<2048x32xf32>
    %sub3A_20 = arith.subf %sub3A, %sub3A_19 : vector<2048x32xf32>
    %mul3A_21 = arith.constant -1.922000e+01 : f32
    %mul3A_22 = vector.broadcast %mul3A_21 : f32 to vector<2048x32xf32>
    %mul3A_23 = arith.mulf %mul3A_22, %sub3A_20 : vector<2048x32xf32>
    %mul3A_24 = arith.mulf %mul3A_23, %sub3A_20 : vector<2048x32xf32>
    %exp3A = math.exp %mul3A_24 : vector<2048x32xf32>
    %get3A_25 = arith.constant 0 : index
    %get3A_26 = arith.constant 0 : index
    %get3A_27 = vector.load %arg2[%get3A_25, %get3A_26] : memref<2048x9xf32, #tpu.memory_space<vmem>>, vector<2048x9xf32>
    %mul3A_28 = vector.broadcast %convert_element_type3A_14 : vector<2048x1xf32> to vector<2048x9xf32>
    %mul3A_29 = arith.mulf %get3A_27, %mul3A_28 : vector<2048x9xf32>
    %concatenate3A = tpu.concatenate %exp3A, %mul3A_29 in 1 : vector<2048x32xf32>, vector<2048x9xf32> -> vector<2048x41xf32>
    %swap3A = arith.constant 0 : index
    %swap3A_30 = arith.constant 0 : index
    %swap3A_31 = vector.load %arg5[%swap3A, %swap3A_30] : memref<2048x41xf32, #tpu.memory_space<vmem>>, vector<2048x41xf32>
    tpu.vector_store %arg5[%swap3A, %swap3A_30], %concatenate3A {strides = array<i32>} : memref<2048x41xf32, #tpu.memory_space<vmem>>, vector<2048x41xf32>,
    return
  }
  func.func @transform_0(%arg0: i32) -> (i32, i32) {
    %c0_i32 = arith.constant 0 : i32
    %c0_i32_0 = arith.constant 0 : i32
    return %arg0, %c0_i32 : i32, i32
  }
  func.func @transform_1(%arg0: i32) -> (i32, i32) {
    %c0_i32 = arith.constant 0 : i32
    %c0_i32_0 = arith.constant 0 : i32
    return %arg0, %c0_i32 : i32, i32
  }
  func.func @transform_2(%arg0: i32) -> (i32, i32) {
    %c0_i32 = arith.constant 0 : i32
    %c0_i32_0 = arith.constant 0 : i32
    %c0_i32_1 = arith.constant 0 : i32
    return %c0_i32, %c0_i32_0 : i32, i32
  }
  func.func @transform_3(%arg0: i32) -> (i32, i32) {
    %c0_i32 = arith.constant 0 : i32
    %c0_i32_0 = arith.constant 0 : i32
    %c0_i32_1 = arith.constant 0 : i32
    return %c0_i32, %c0_i32_0 : i32, i32
  }
  func.func @transform_4(%arg0: i32) -> (i32, i32) {
    %c0_i32 = arith.constant 0 : i32
    %c0_i32_0 = arith.constant 0 : i32
    return %arg0, %c0_i32 : i32, i32
  }
}

</mosaic_0001>

<sc_bundles>
// kernel: kernel.10.cloned.1.call-start
scs
__scs_entry_jumppad:
0x0: {  	(pc) =	sbr.rel $0x88, $3  }
0x1: {  	(tag) =	ssettag $0x0;
	lr =	simm.s32 $0x1  }
0x2: {  	[smem:$0x3F9D] =	sst lr;
	_ =	strace $0xD0000000  }
0x3: {  	_ = 	snop  }
0x4: {  	_ = 	snop  }
0x5: {  	_ = 	snop  }
0x6: {  	_ = 	snop  }
0x7: {  	_ = 	snop  }
__scs_overlays_trampoline_lowered:
0x8: {  	[smem:$0x3FAC] =	sst s0  }
0x9: {  	[smem:$0x3FAD] =	sst s1  }
0xa: {  	[smem:$0x3FAE] =	sst s2  }
0xb: {  	[smem:$0x3FAF] =	sst s3  }
0xc: {  	[smem:$0x3FB0] =	sst s4  }
0xd: {  	[smem:$0x3FB1] =	sst s5  }
0xe: {  	[smem:$0x3FB2] =	sst s6  }
0xf: {  	[smem:$0x3FB3] =	sst s7  }
0x10: {  	[smem:$0x3FB4] =	sst s8  }
0x11: {  	[smem:$0x3FB5] =	sst s9;
	s0 =	simm.s32 @!p0 $0x0  }
0x12: {  	s1 =	sld [smem:$0x3F9B];
	s0 =	simm.s32 @p0 $0x1  }
0x13: {  	[smem:$0x3FB6] =	sst s0;
	s0 =	simm.s32 @!p1 $0x0  }
0x14: {  	s2 =	sld [smem:$0x3F9A];
	s0 =	simm.s32 @p1 $0x1  }
0x15: {  	[smem:$0x3FB7] =	sst s0;
	s0 =	simm.s32 @!p2 $0x0  }
0x16: {  	s3 =	sld [smem:$0x3FDB];
	s0 =	simm.s32 @p2 $0x1  }
0x17: {  	s4 =	simm.s32 $0x1BF5;
	[smem:$0x3FB9] =	sst s0  }
0x18: {  	s0 =	sld [smem:$0x3F9C];
	_ =	swait.ge [sflag:s4], $0x0  }
0x19: {  	s7 =	sld [smem:$0x3F9D]  }
0x1a: {  	s8 =	sadd.s32 $0xFFFFE003, lr  }
0x1b: {  	s9 =	sadd.s32 $0xFFFFFEF7, lr;
	s5 =	simm.s32 $0xFFFFFFFF;
	p2 =	slt.u32 s8, $0xFFFFF086  }
0x1c: {  	p1 =	slt.u32 s9, $0xF7A;
	s5 =	simm.s32 @!p2 $0x0  }
0x1d: {  	s5 =	simm.s32 @p1 $0x1;
	p0 =	seq.s32 s7, s2  }
0x1e: {  	s7 =	smul.u32 @!p0 $0xF7A, s2;
	p2 =	seq.s32 @!p0 s5, $0x0  }
0x1f: {  	s9 =	smul.u32 $0xF7A, s1;
	s8 =	simm.s32 @!p0 $0x1BF5;
	p2 =	por !p2, p0  }
0x20: {  	[sflag:s8] =	ssyncset.s32 @!p0 $0xFFFFF086;
	s6 =	sadd.s32 @!p0 s3, s7;
	s7 =	simm.s32 @!p0 $0x108  }
0x21: {  	s3 =	sadd.s32 s3, s9;
	s6 =	sadd.s32 @!p0 $0x88, s6;
	s7 =	simm.s32 @p2 $0x1082  }
0x22: {  	[simem:s7], [sflag:s8] =	dma.local @!p0 [hbm:s6], $0xF7A  }
0x23: {  	s9 =	sor.u32 $0xD0000000, s2;
	s6 =	simm.s32 $0x108;
	_ =	swait.ge @!p0 [sflag:s8], $0x0  }
0x24: {  	s3 =	sadd.s32 $0x88, s3;
	s6 =	simm.s32 @!p1 $0x1082;
	[sflag:s4] =	ssyncset.s32 $0xFFFFF086  }
0x25: {  	[simem:s6], [sflag:s4] =	dma.local [hbm:s3], $0xF7A  }
0x26: {  	[smem:$0x3F9D] =	sst s1;
	(tag) =	ssettag s2;
	_ =	strace s9  }
0x27: {  	s1 =	sld [smem:$0x3FAD]  }
0x28: {  	s2 =	sld [smem:$0x3FAE]  }
0x29: {  	s4 =	sld [smem:$0x3FB0]  }
0x2a: {  	p0 =	seq.s32 s5, $0x0;
	s5 =	sld [smem:$0x3FB1]  }
0x2b: {  	s6 =	sld [smem:$0x3FB2]  }
0x2c: {  	s7 =	sld [smem:$0x3FB3]  }
0x2d: {  	s3 =	simm.s32 $0x108;
	s8 =	sld [smem:$0x3FB4]  }
0x2e: {  	s3 =	simm.s32 @!p0 $0x1082;
	s9 =	sld [smem:$0x3FB5]  }
0x2f: {  	lr =	sadd.s32 s0, s3;
	s0 =	sld [smem:$0x3FAC]  }
0x30: {  	s3 =	sld [smem:$0x3FAF]  }
0x31: {  	[smem:$0x3FB8] =	sst s10  }
0x32: {  	s10 =	sld [smem:$0x3FB6];
	_ =	sdelay $0x3  }
0x33: {  	p0 =	seq.s32 s10, $0x1;
	s10 =	sld [smem:$0x3FB8];
	_ =	sdelay $0x3  }
0x34: {  	[smem:$0x3FB8] =	sst s10  }
0x35: {  	s10 =	sld [smem:$0x3FB7];
	_ =	sdelay $0x3  }
0x36: {  	p1 =	seq.s32 s10, $0x1;
	s10 =	sld [smem:$0x3FB8];
	_ =	sdelay $0x3  }
0x37: {  	[smem:$0x3FB8] =	sst s10  }
0x38: {  	s10 =	sld [smem:$0x3FB9]  }
0x39: {  	_ = 	snop;
	(pc) =	sbr.ind lr, $3  }
0x3a: {  	_ = 	snop  }
0x3b: {  	_ = 	snop  }
0x3c: {  	p2 =	seq.s32 s10, $0x1;
	s10 =	sld [smem:$0x3FB8]  }
0x3d: {  	_ =	shalt  }
0x3e: {  	_ =	shalt  }
0x3f: {  	_ =	shalt  }
0x40: {  	_ =	shalt  }
0x41: {  	_ =	shalt  }
0x42: {  	_ =	shalt  }
0x43: {  	_ =	shalt  }
0x44: {  	_ =	shalt  }
0x45: {  	_ =	shalt  }
0x46: {  	_ =	shalt  }
0x47: {  	_ =	shalt  }
0x48: {  	_ =	shalt  }
0x49: {  	_ =	shalt  }
0x4a: {  	_ =	shalt  }
0x4b: {  	_ =	shalt  }
0x4c: {  	_ =	shalt  }
0x4d: {  	_ =	shalt  }
0x4e: {  	_ =	shalt  }
0x4f: {  	_ =	shalt  }
0x50: {  	_ =	shalt  }
0x51: {  	_ =	shalt  }
0x52: {  	_ =	shalt  }
0x53: {  	_ =	shalt  }
0x54: {  	_ =	shalt  }
0x55: {  	_ =	shalt  }
0x56: {  	_ =	shalt  }
0x57: {  	_ =	shalt  }
0x58: {  	_ =	shalt  }
0x59: {  	_ =	shalt  }
0x5a: {  	_ =	shalt  }
0x5b: {  	_ =	shalt  }
0x5c: {  	_ =	shalt  }
0x5d: {  	_ =	shalt  }
0x5e: {  	_ =	shalt  }
0x5f: {  	_ =	shalt  }
0x60: {  	_ =	shalt  }
0x61: {  	_ =	shalt  }
0x62: {  	_ =	shalt  }
0x63: {  	_ =	shalt  }
0x64: {  	_ =	shalt  }
0x65: {  	_ =	shalt  }
0x66: {  	_ =	shalt  }
0x67: {  	_ =	shalt  }
0x68: {  	_ =	shalt  }
0x69: {  	_ =	shalt  }
0x6a: {  	_ =	shalt  }
0x6b: {  	_ =	shalt  }
0x6c: {  	_ =	shalt  }
0x6d: {  	_ =	shalt  }
0x6e: {  	_ =	shalt  }
0x6f: {  	_ =	shalt  }
0x70: {  	_ =	shalt  }
0x71: {  	_ =	shalt  }
0x72: {  	_ =	shalt  }
0x73: {  	_ =	shalt  }
0x74: {  	_ =	shalt  }
0x75: {  	_ =	shalt  }
0x76: {  	_ =	shalt  }
0x77: {  	_ =	shalt  }
0x78: {  	_ =	shalt  }
0x79: {  	_ =	shalt  }
0x7a: {  	_ =	shalt  }
0x7b: {  	_ =	shalt  }
0x7c: {  	_ =	shalt  }
0x7d: {  	_ =	shalt  }
0x7e: {  	_ =	shalt  }
0x7f: {  	_ =	shalt  }
0x80: {  	_ =	shalt  }
0x81: {  	_ =	shalt  }
0x82: {  	_ =	shalt  }
0x83: {  	_ =	shalt  }
0x84: {  	_ =	shalt  }
0x85: {  	_ =	shalt  }
0x86: {  	_ =	shalt  }
0x87: {  	_ =	shalt  }
.Lfunc_end0:
.L_simem_size_0:
called_computation.1_lowered:
.L_overlay_start_0:
0x88: {  	s2 =	sld [smem:$0x3FD9]  }
0x89: {  	s3 =	sld [smem:$0x3FFE];
	_ =	sdelay $0x1  }
0x8a: {  	s1 =	srdreg.scid  }
0x8b: {  	s0 =	sand.u32 $0x1, s1  }
0x8c: {  	s14 =	sshll.u32 s0, $0xA;
	s2 =	sadd.s32 s3, s2  }
0x8d: {  	s2 =	sadd.s32 s2, s14  }
0x8e: {  	[smem:$0x3FC4] =	sst s2  }
0x8f: {  	_ = 	snop  }
0x90: {  	s2 =	sld [smem:$0x3FD0];
	_ =	sdelay $0x2  }
0x91: {  	s15 =	simm.s32 $0xA;
	s4 =	simm.s32 $0x10  }
0x92: {  	[smem:s4], [sflag:s15] =	dma.local [hbm:s2], $0x1  }
0x93: {  	_ =	swait.eq [sflag:s15], $0x1  }
0x94: {  	s16 =	sld [smem:$0x10];
	[sflag:s15] =	ssyncset.done $0x0  }
0x95: {  	s17 =	sld [smem:$0x11];
	[sflag:s15] =	ssyncadd.s32 $0xFFFFFFFF  }
0x96: {  	s18 =	sld [smem:$0x12];
	(tm) =	ssettm $0x1  }
0x97: {  	s5 =	sld [smem:$0x3FFB];
	_ =	sdelay $0x3  }
0x98: {  	_ =	strace s5  }
0x99: {  	s5 =	sld [smem:$0x3FFC];
	_ =	sdelay $0x3  }
0x9a: {  	_ =	strace s5  }
0x9b: {  	s5 =	sld [smem:$0x3FFD];
	_ =	sdelay $0x3  }
0x9c: {  	_ =	strace s5  }
0x9d: {  	_ =	strace $0x8FFFFFFF  }
0x9e: {  	s19 =	sld [smem:$0x3FDB];
	_ =	sdelay $0x1  }
0x9f: {  	s6 =	simm.s32 $_scs_section_size  }
0xa0: {  	s7 =	simm.s32 $_size__tile_overlayer_lowered;
	s8 =	simm.s32 $_tile_overlayer_lowered  }
0xa1: {  	s22 =	simm.s32 $0x1BFF;
	s21 =	sshll.u32 s8, $0x1;
	s5 =	sadd.s32 s6, s19  }
0xa2: {  	s9 =	simm.s32 $0x0;
	s20 =	sshll.u32 s7, $0x1;
	s7 =	sadd.s32 s21, s5  }
0xa3: {  	[timem:s9], [sflag:s22] =	dma.local [hbm:s7], s20  }
0xa4: {  	_ =	swait.ge [sflag:s22], s20  }
0xa5: {  	s6 =	ssub.s32 $0x0, s20;
	[sflag:s22] =	ssyncset.done $0x0  }
0xa6: {  	[sflag:s22] =	ssyncadd.s32 s6;
	_ =	sdelay $0x1  }
0xa7: {  	s23 =	simm.s32 $0x1B8B  }
0xa8: {  	_ =	swait.ge [sflag:s23], $0x1  }
0xa9: {  	[sflag:s23] =	ssyncset.done $0x0  }
0xaa: {  	s25 =	simm.s32 $0x1B8E;
	s24 =	sld [smem:$0x3FFE];
	[sflag:s23] =	ssyncadd.s32 $0xFFFFFFFF  }
0xab: {  	s26 =	simm.s32 $execute0_lowered;
	[smem:$0x3FD2] =	sst s25  }
0xac: {  	s7 =	sshll.u32 s26, $0x1;
	_ =	strace $0x80000049;
	[dreg:$0x1] =	wrdreg $0xFFFFFFFF  }
0xad: {  	s28 =	simm.s32 $_size_execute0_lowered;
	s5 =	sadd.s32 s5, s7;
	[dreg:$0x0] =	wrdreg $0x0  }
0xae: {  	s7 =	sshll.u32 s28, $0x1;
	[dreg:$0x2] =	wrdreg s5  }
0xaf: {  	[dreg:$0x3] =	wrdreg s7  }
0xb0: {  	[dreg:$0x4] =	wrdreg $0xC0  }
0xb1: {  	_ =	task [dreg:s9], $0x5FFFF  }
0xb2: {  	[dreg:$0x1] =	wrdreg $0xFFFFFFFF  }
0xb3: {  	[dreg:$0x0] =	wrdreg $0x60  }
0xb4: {  	[dreg:$0x2] =	wrdreg s24  }
0xb5: {  	[dreg:$0x3] =	wrdreg s17  }
0xb6: {  	[dreg:$0x4] =	wrdreg s18  }
0xb7: {  	[dreg:$0x5] =	wrdreg s16  }
0xb8: {  	[dreg:$0x6] =	wrdreg $0x9  }
0xb9: {  	_ =	task.clear_ibuf [dreg:s9], $0x7FFFF;
	_ =	strace $0x90000049  }
0xba: {  	s29 =	simm.s32 $0x9;
	_ =	strace $0x8000004B  }
0xbb: {  	_ =	swait.ge [sflag:s29], $0x1  }
0xbc: {  	[sflag:s29] =	ssyncadd.s32 $0xFFFFFFFF  }
0xbd: {  	_ =	strace $0x9000004B  }
0xbe: {  	_ =	sfence  }
0xbf: {  	s30 =	sld [smem:$0x0];
	_ =	sdelay $0x2  }
0xc0: {  	s31 =	sshll.u32 s1, $0xD;
	s1 =	sshrl.u32 s1, $0x2  }
0xc1: {  	s3 =	sand.u32 $0x4000, s31;
	s1 =	sadd.s32 s1, s30  }
0xc2: {  	s0 =	sor.u32 s3, s0;
	s1 =	sshll.u32 s1, $0x11  }
0xc3: {  	s0 =	sor.u32 s1, s0  }
0xc4: {  	s0 =	sadd.s32 $0x8F2B, s0  }
0xc5: {  	[sflag:s0] =	ssyncadd.remote.s32 $0x1  }
0xc6: {  	_ =	sfence.sel $0xFFFF  }
0xc7: {  	[dreg:$0x0] =	wrdreg $0xFFFFFFFF;
	(pc) =	sbr.abs _section_cstart, $3  }
0xc8: {  	[dreg:$0x1] =	wrdreg $0xFFFFFFFF  }
0xc9: {  	_ =	task.clear_ibuf [dreg:s9], $0x2FFFF;
	_ =	strace $0x9FFFFFFF  }
0xca: {  	(tm) =	ssettm $0x7FFFFFFF  }
0xcb: {  	_ =	shalt  }
tec
execute0_lowered:
.L_overlay_start_1:
0x0: {  	(tag) =	ssettag $0x1  }
0x1: {  	s11 =	rddreg [dreg:$0x0]  }
0x2: {  	s1 =	rddreg [dreg:$0x1]  }
0x3: {  	s2 =	rddreg [dreg:$0x2]  }
0x4: {  	s3 =	rddreg [dreg:$0x3]  }
0x5: {  	s0 =	rddreg [dreg:$0x4];
	s4 =	simm.s32 $0x0;
	s6 =	srdreg.scid  }
0x6: {  	s16 =	simm.s32 $0x1AF80;
	s17 =	simm.s32 $0x0;
	[smem:$0x7FF] =	sst s4  }
0x7: {  	s5 =	sadd.s32 $0xF400, s11;
	s7 =	sadd.s32 $0x2800, s11;
	s8 =	sadd.s32 $0x5A00, s11  }
0x8: {  	s12 =	sand.u32 $0x1, s6;
	s9 =	sadd.s32 $0x74200, s11;
	s6 =	stileid.u32  }
0x9: {  	s10 =	sadd.s32 $0x12600, s11;
	s11 =	sadd.s32 $0x43400, s11;
	s13 =	ssub.s32 $0x2, s12  }
0xa: {  	_ =	strace $0x8000004A;
	s15 =	sshll.u32 s6, $0x1;
	s14 =	sshrl.u32 s13, $0x1  }
0xb: {  	s12 =	sor.u32 s12, s15;
	s15 =	simm.s32 $0x18800;
	s13 =	ssub.s32 s13, s14  }
0xc: {  	s12 =	smul.u32 $0xC350, s12;
	s14 =	simm.s32 $0x1;
	s13 =	smax.u32 s13, $0x1  }
.LBB2_1:
0xd: {  	[tilespmem:s4], [sflag:$0x1] =	stream.linear.gather [hbm4b:s5+s4], $0x18800, $0x38;
	[tilespmem:$0x1D700] =	vst v63  }
0xe: {  	_ =	swait.ge [sflag:s14], $0x18800  }
0xf: {  	[sflag:s14] =	ssyncset.done $0x0  }
0x10: {  	s18 =	simm.s32 $0x0;
	[sflag:s14] =	ssyncadd.s32 $0xFFFE7800  }
.LBB2_2:
0x11: {  	s19 =	smul.u32 $0x2710, s18;
	_ =	sdelay $0x1  }
0x12: {  	s19 =	sadd.s32 s12, s19  }
0x13: {  	s19 =	sshrl.u32 s19, $0x3  }
0x14: {  	s20 =	sadd.s32 s1, s19  }
0x15: {  	[tilespmem:s15], [sflag:$0x1] =	stream.linear.gather [hbm4b:s20+s4], $0x2710, $0x38;
	[tilespmem:$0x1D700] =	vst v63  }
0x16: {  	_ =	swait.ge [sflag:s14], $0x2710  }
0x17: {  	s21 =	simm.s32 $0x18840;
	[sflag:s14] =	ssyncset.done $0x0  }
0x18: {  	s22 =	simm.s32 $0x1AFC0;
	s20 =	simm.s32 $0xFFFFFFF8;
	[sflag:s14] =	ssyncadd.s32 $0xFFFFD8F0  }
.LBB2_3:
0x19: {  	v0 =	vld [tilespmem:s21+$0xFFFFFFC0];
	_ =	sdelay $0x7  }
0x1a: {  	v0 =	vld.idx.msk [tilespmem:v0+s4+$0x0], $0xffff;
	_ =	sdelay $0x4  }
0x1b: {  	[tilespmem:s22+$0xFFFFFFC0] =	vst v0  }
0x1c: {  	v0 =	vld [tilespmem:s21+$0xFFFFFFD0];
	_ =	sdelay $0x7  }
0x1d: {  	v0 =	vld.idx.msk [tilespmem:v0+s4+$0x0], $0xffff;
	_ =	sdelay $0x4  }
0x1e: {  	[tilespmem:s22+$0xFFFFFFD0] =	vst v0  }
0x1f: {  	v0 =	vld [tilespmem:s21+$0xFFFFFFE0];
	_ =	sdelay $0x7  }
0x20: {  	v0 =	vld.idx.msk [tilespmem:v0+s4+$0x0], $0xffff;
	_ =	sdelay $0x4  }
0x21: {  	[tilespmem:s22+$0xFFFFFFE0] =	vst v0  }
0x22: {  	v0 =	vld [tilespmem:s21+$0xFFFFFFF0];
	_ =	sdelay $0x7  }
0x23: {  	v0 =	vld.idx.msk [tilespmem:v0+s4+$0x0], $0xffff;
	_ =	sdelay $0x4  }
0x24: {  	[tilespmem:s22+$0xFFFFFFF0] =	vst v0  }
0x25: {  	v0 =	vld [tilespmem:s21+$0x0];
	_ =	sdelay $0x7  }
0x26: {  	v0 =	vld.idx.msk [tilespmem:v0+s4+$0x0], $0xffff;
	_ =	sdelay $0x4  }
0x27: {  	[tilespmem:s22+$0x0] =	vst v0  }
0x28: {  	v0 =	vld [tilespmem:s21+$0x10];
	_ =	sdelay $0x7  }
0x29: {  	v0 =	vld.idx.msk [tilespmem:v0+s4+$0x0], $0xffff;
	_ =	sdelay $0x4  }
0x2a: {  	[tilespmem:s22+$0x10] =	vst v0  }
0x2b: {  	v0 =	vld [tilespmem:s21+$0x20];
	_ =	sdelay $0x7  }
0x2c: {  	v0 =	vld.idx.msk [tilespmem:v0+s4+$0x0], $0xffff;
	_ =	sdelay $0x4  }
0x2d: {  	[tilespmem:s22+$0x20] =	vst v0  }
0x2e: {  	v0 =	vld [tilespmem:s21+$0x30];
	_ =	sdelay $0x6  }
0x2f: {  	s20 =	sadd.s32 $0x8, s20  }
0x30: {  	p0 =	slt.u32 s20, $0x268;
	v0 =	vld.idx.msk [tilespmem:v0+s4+$0x0], $0xffff  }
.Ltmp0:
0x31: {  	_ = 	snop;
	(pc) =	sbr.rel @p0 .LBB2_3-.Ltmp0, $2  }
0x32: {  	_ =	sdelay $0x2  }
0x33: {  	s21 =	sadd.s32 $0x80, s21;
	[tilespmem:s22+$0x30] =	vst v0;
	s22 =	sadd.s32 $0x80, s22  }
0x34: {  	v0 =	vld [tilespmem:$0x1AF00];
	_ =	sdelay $0x7  }
0x35: {  	v0 =	vld.idx.msk [tilespmem:v0+s4+$0x0], $0xffff;
	_ =	sdelay $0x2  }
0x36: {  	s18 =	sadd.s32 $0x1, s18  }
0x37: {  	p0 =	sne.s32 s18, $0x5  }
.Ltmp1:
0x38: {  	s19 =	sadd.s32 s3, s19;
	[tilespmem:$0x1D680] =	vst v0;
	(pc) =	sbr.rel @p0 .LBB2_2-.Ltmp1, $4  }
0x39: {  	[hbm4b:s19+s4] =	stream.linear.scatter [tilespmem:s16], [sflag:$0x1], $0x2710, $0x38;
	[tilespmem:$0x1D700] =	vst v63  }
0x3a: {  	_ =	swait.ge [sflag:s14], $0x2710  }
0x3b: {  	[sflag:s14] =	ssyncset.done $0x0  }
0x3c: {  	[sflag:s14] =	ssyncadd.s32 $0xFFFFD8F0  }
0x3d: {  	s18 =	simm.s32 $0x0  }
0x3e: {  	[tilespmem:s18], [sflag:$0x1] =	stream.linear.gather [hbm4b:s5+s18], $0x18800, $0x38;
	[tilespmem:$0x1D700] =	vst v63  }
0x3f: {  	_ =	swait.ge [sflag:s14], $0x18800  }
0x40: {  	[sflag:s14] =	ssyncset.done $0x0  }
0x41: {  	[sflag:s14] =	ssyncadd.s32 $0xFFFE7800  }
.LBB2_6:
0x42: {  	s19 =	smul.u32 $0x2710, s18;
	_ =	sdelay $0x1  }
0x43: {  	s19 =	sadd.s32 s12, s19  }
0x44: {  	s19 =	sshrl.u32 s19, $0x3  }
0x45: {  	s20 =	sadd.s32 s2, s19  }
0x46: {  	[tilespmem:s15], [sflag:$0x1] =	stream.linear.gather [hbm4b:s20+s4], $0x2710, $0x38;
	[tilespmem:$0x1D700] =	vst v63  }
0x47: {  	_ =	swait.ge [sflag:s14], $0x2710  }
0x48: {  	s21 =	simm.s32 $0x18840;
	[sflag:s14] =	ssyncset.done $0x0  }
0x49: {  	s22 =	simm.s32 $0x1AFC0;
	s20 =	simm.s32 $0xFFFFFFF8;
	[sflag:s14] =	ssyncadd.s32 $0xFFFFD8F0  }
.LBB2_7:
0x4a: {  	v0 =	vld [tilespmem:s21+$0xFFFFFFC0];
	_ =	sdelay $0x7  }
0x4b: {  	v0 =	vld.idx.msk [tilespmem:v0+s4+$0x0], $0xffff;
	_ =	sdelay $0x4  }
0x4c: {  	[tilespmem:s22+$0xFFFFFFC0] =	vst v0  }
0x4d: {  	v0 =	vld [tilespmem:s21+$0xFFFFFFD0];
	_ =	sdelay $0x7  }
0x4e: {  	v0 =	vld.idx.msk [tilespmem:v0+s4+$0x0], $0xffff;
	_ =	sdelay $0x4  }
0x4f: {  	[tilespmem:s22+$0xFFFFFFD0] =	vst v0  }
0x50: {  	v0 =	vld [tilespmem:s21+$0xFFFFFFE0];
	_ =	sdelay $0x7  }
0x51: {  	v0 =	vld.idx.msk [tilespmem:v0+s4+$0x0], $0xffff;
	_ =	sdelay $0x4  }
0x52: {  	[tilespmem:s22+$0xFFFFFFE0] =	vst v0  }
0x53: {  	v0 =	vld [tilespmem:s21+$0xFFFFFFF0];
	_ =	sdelay $0x7  }
0x54: {  	v0 =	vld.idx.msk [tilespmem:v0+s4+$0x0], $0xffff;
	_ =	sdelay $0x4  }
0x55: {  	[tilespmem:s22+$0xFFFFFFF0] =	vst v0  }
0x56: {  	v0 =	vld [tilespmem:s21+$0x0];
	_ =	sdelay $0x7  }
0x57: {  	v0 =	vld.idx.msk [tilespmem:v0+s4+$0x0], $0xffff;
	_ =	sdelay $0x4  }
0x58: {  	[tilespmem:s22+$0x0] =	vst v0  }
0x59: {  	v0 =	vld [tilespmem:s21+$0x10];
	_ =	sdelay $0x7  }
0x5a: {  	v0 =	vld.idx.msk [tilespmem:v0+s4+$0x0], $0xffff;
	_ =	sdelay $0x4  }
0x5b: {  	[tilespmem:s22+$0x10] =	vst v0  }
0x5c: {  	v0 =	vld [tilespmem:s21+$0x20];
	_ =	sdelay $0x7  }
0x5d: {  	v0 =	vld.idx.msk [tilespmem:v0+s4+$0x0], $0xffff;
	_ =	sdelay $0x4  }
0x5e: {  	[tilespmem:s22+$0x20] =	vst v0  }
0x5f: {  	v0 =	vld [tilespmem:s21+$0x30];
	_ =	sdelay $0x6  }
0x60: {  	s20 =	sadd.s32 $0x8, s20  }
0x61: {  	p0 =	slt.u32 s20, $0x268;
	v0 =	vld.idx.msk [tilespmem:v0+s4+$0x0], $0xffff  }
.Ltmp2:
0x62: {  	_ = 	snop;
	(pc) =	sbr.rel @p0 .LBB2_7-.Ltmp2, $2  }
0x63: {  	_ =	sdelay $0x2  }
0x64: {  	s21 =	sadd.s32 $0x80, s21;
	[tilespmem:s22+$0x30] =	vst v0;
	s22 =	sadd.s32 $0x80, s22  }
0x65: {  	v0 =	vld [tilespmem:$0x1AF00];
	_ =	sdelay $0x7  }
0x66: {  	v0 =	vld.idx.msk [tilespmem:v0+s4+$0x0], $0xffff;
	_ =	sdelay $0x2  }
0x67: {  	s18 =	sadd.s32 $0x1, s18  }
0x68: {  	p0 =	sne.s32 s18, $0x5  }
.Ltmp3:
0x69: {  	s19 =	sadd.s32 s9, s19;
	[tilespmem:$0x1D680] =	vst v0;
	(pc) =	sbr.rel @p0 .LBB2_6-.Ltmp3, $4  }
0x6a: {  	[hbm4b:s19+s4] =	stream.linear.scatter [tilespmem:s16], [sflag:$0x1], $0x2710, $0x38;
	[tilespmem:$0x1D700] =	vst v63  }
0x6b: {  	_ =	swait.ge [sflag:s14], $0x2710  }
0x6c: {  	[sflag:s14] =	ssyncset.done $0x0  }
0x6d: {  	[sflag:s14] =	ssyncadd.s32 $0xFFFFD8F0  }
0x6e: {  	s18 =	simm.s32 $0x0  }
0x6f: {  	[tilespmem:s18], [sflag:$0x1] =	stream.linear.gather [hbm4b:s7+s18], $0x18800, $0x38;
	[tilespmem:$0x1D700] =	vst v63  }
0x70: {  	_ =	swait.ge [sflag:s14], $0x18800  }
0x71: {  	[sflag:s14] =	ssyncset.done $0x0  }
0x72: {  	[sflag:s14] =	ssyncadd.s32 $0xFFFE7800  }
.LBB2_10:
0x73: {  	s19 =	smul.u32 $0x2710, s18;
	_ =	sdelay $0x1  }
0x74: {  	s19 =	sadd.s32 s12, s19  }
0x75: {  	s19 =	sshrl.u32 s19, $0x3  }
0x76: {  	s20 =	sadd.s32 s1, s19  }
0x77: {  	[tilespmem:s15], [sflag:$0x1] =	stream.linear.gather [hbm4b:s20+s4], $0x2710, $0x38;
	[tilespmem:$0x1D700] =	vst v63  }
0x78: {  	_ =	swait.ge [sflag:s14], $0x2710  }
0x79: {  	s21 =	simm.s32 $0x18840;
	[sflag:s14] =	ssyncset.done $0x0  }
0x7a: {  	s22 =	simm.s32 $0x1AFC0;
	s20 =	simm.s32 $0xFFFFFFF8;
	[sflag:s14] =	ssyncadd.s32 $0xFFFFD8F0  }
.LBB2_11:
0x7b: {  	v0 =	vld [tilespmem:s21+$0xFFFFFFC0];
	_ =	sdelay $0x7  }
0x7c: {  	v0 =	vld.idx.msk [tilespmem:v0+s4+$0x0], $0xffff;
	_ =	sdelay $0x4  }
0x7d: {  	[tilespmem:s22+$0xFFFFFFC0] =	vst v0  }
0x7e: {  	v0 =	vld [tilespmem:s21+$0xFFFFFFD0];
	_ =	sdelay $0x7  }
0x7f: {  	v0 =	vld.idx.msk [tilespmem:v0+s4+$0x0], $0xffff;
	_ =	sdelay $0x4  }
0x80: {  	[tilespmem:s22+$0xFFFFFFD0] =	vst v0  }
0x81: {  	v0 =	vld [tilespmem:s21+$0xFFFFFFE0];
	_ =	sdelay $0x7  }
0x82: {  	v0 =	vld.idx.msk [tilespmem:v0+s4+$0x0], $0xffff;
	_ =	sdelay $0x4  }
0x83: {  	[tilespmem:s22+$0xFFFFFFE0] =	vst v0  }
0x84: {  	v0 =	vld [tilespmem:s21+$0xFFFFFFF0];
	_ =	sdelay $0x7  }
0x85: {  	v0 =	vld.idx.msk [tilespmem:v0+s4+$0x0], $0xffff;
	_ =	sdelay $0x4  }
0x86: {  	[tilespmem:s22+$0xFFFFFFF0] =	vst v0  }
0x87: {  	v0 =	vld [tilespmem:s21+$0x0];
	_ =	sdelay $0x7  }
0x88: {  	v0 =	vld.idx.msk [tilespmem:v0+s4+$0x0], $0xffff;
	_ =	sdelay $0x4  }
0x89: {  	[tilespmem:s22+$0x0] =	vst v0  }
0x8a: {  	v0 =	vld [tilespmem:s21+$0x10];
	_ =	sdelay $0x7  }
0x8b: {  	v0 =	vld.idx.msk [tilespmem:v0+s4+$0x0], $0xffff;
	_ =	sdelay $0x4  }
0x8c: {  	[tilespmem:s22+$0x10] =	vst v0  }
0x8d: {  	v0 =	vld [tilespmem:s21+$0x20];
	_ =	sdelay $0x7  }
0x8e: {  	v0 =	vld.idx.msk [tilespmem:v0+s4+$0x0], $0xffff;
	_ =	sdelay $0x4  }
0x8f: {  	[tilespmem:s22+$0x20] =	vst v0  }
0x90: {  	v0 =	vld [tilespmem:s21+$0x30];
	_ =	sdelay $0x6  }
0x91: {  	s20 =	sadd.s32 $0x8, s20  }
0x92: {  	p0 =	slt.u32 s20, $0x268;
	v0 =	vld.idx.msk [tilespmem:v0+s4+$0x0], $0xffff  }
.Ltmp4:
0x93: {  	_ = 	snop;
	(pc) =	sbr.rel @p0 .LBB2_11-.Ltmp4, $2  }
0x94: {  	_ =	sdelay $0x2  }
0x95: {  	s21 =	sadd.s32 $0x80, s21;
	[tilespmem:s22+$0x30] =	vst v0;
	s22 =	sadd.s32 $0x80, s22  }
0x96: {  	v0 =	vld [tilespmem:$0x1AF00];
	_ =	sdelay $0x7  }
0x97: {  	v0 =	vld.idx.msk [tilespmem:v0+s4+$0x0], $0xffff;
	_ =	sdelay $0x2  }
0x98: {  	s18 =	sadd.s32 $0x1, s18  }
0x99: {  	p0 =	sne.s32 s18, $0x5  }
.Ltmp5:
0x9a: {  	s19 =	sadd.s32 s10, s19;
	[tilespmem:$0x1D680] =	vst v0;
	(pc) =	sbr.rel @p0 .LBB2_10-.Ltmp5, $4  }
0x9b: {  	[hbm4b:s19+s4] =	stream.linear.scatter [tilespmem:s16], [sflag:$0x1], $0x2710, $0x38;
	[tilespmem:$0x1D700] =	vst v63  }
0x9c: {  	_ =	swait.ge [sflag:s14], $0x2710  }
0x9d: {  	[sflag:s14] =	ssyncset.done $0x0  }
0x9e: {  	[sflag:s14] =	ssyncadd.s32 $0xFFFFD8F0  }
0x9f: {  	s18 =	simm.s32 $0x0  }
0xa0: {  	[tilespmem:s18], [sflag:$0x1] =	stream.linear.gather [hbm4b:s8+s18], $0x18800, $0x38;
	[tilespmem:$0x1D700] =	vst v63  }
0xa1: {  	_ =	swait.ge [sflag:s14], $0x18800  }
0xa2: {  	[sflag:s14] =	ssyncset.done $0x0  }
0xa3: {  	[sflag:s14] =	ssyncadd.s32 $0xFFFE7800  }
.LBB2_14:
0xa4: {  	s19 =	smul.u32 $0x2710, s18;
	_ =	sdelay $0x1  }
0xa5: {  	s19 =	sadd.s32 s12, s19  }
0xa6: {  	s19 =	sshrl.u32 s19, $0x3  }
0xa7: {  	s20 =	sadd.s32 s2, s19  }
0xa8: {  	[tilespmem:s15], [sflag:$0x1] =	stream.linear.gather [hbm4b:s20+s4], $0x2710, $0x38;
	[tilespmem:$0x1D700] =	vst v63  }
0xa9: {  	_ =	swait.ge [sflag:s14], $0x2710  }
0xaa: {  	s21 =	simm.s32 $0x18840;
	[sflag:s14] =	ssyncset.done $0x0  }
0xab: {  	s22 =	simm.s32 $0x1AFC0;
	s20 =	simm.s32 $0xFFFFFFF8;
	[sflag:s14] =	ssyncadd.s32 $0xFFFFD8F0  }
.LBB2_15:
0xac: {  	v0 =	vld [tilespmem:s21+$0xFFFFFFC0];
	_ =	sdelay $0x7  }
0xad: {  	v0 =	vld.idx.msk [tilespmem:v0+s4+$0x0], $0xffff;
	_ =	sdelay $0x4  }
0xae: {  	[tilespmem:s22+$0xFFFFFFC0] =	vst v0  }
0xaf: {  	v0 =	vld [tilespmem:s21+$0xFFFFFFD0];
	_ =	sdelay $0x7  }
0xb0: {  	v0 =	vld.idx.msk [tilespmem:v0+s4+$0x0], $0xffff;
	_ =	sdelay $0x4  }
0xb1: {  	[tilespmem:s22+$0xFFFFFFD0] =	vst v0  }
0xb2: {  	v0 =	vld [tilespmem:s21+$0xFFFFFFE0];
	_ =	sdelay $0x7  }
0xb3: {  	v0 =	vld.idx.msk [tilespmem:v0+s4+$0x0], $0xffff;
	_ =	sdelay $0x4  }
0xb4: {  	[tilespmem:s22+$0xFFFFFFE0] =	vst v0  }
0xb5: {  	v0 =	vld [tilespmem:s21+$0xFFFFFFF0];
	_ =	sdelay $0x7  }
0xb6: {  	v0 =	vld.idx.msk [tilespmem:v0+s4+$0x0], $0xffff;
	_ =	sdelay $0x4  }
0xb7: {  	[tilespmem:s22+$0xFFFFFFF0] =	vst v0  }
0xb8: {  	v0 =	vld [tilespmem:s21+$0x0];
	_ =	sdelay $0x7  }
0xb9: {  	v0 =	vld.idx.msk [tilespmem:v0+s4+$0x0], $0xffff;
	_ =	sdelay $0x4  }
0xba: {  	[tilespmem:s22+$0x0] =	vst v0  }
0xbb: {  	v0 =	vld [tilespmem:s21+$0x10];
	_ =	sdelay $0x7  }
0xbc: {  	v0 =	vld.idx.msk [tilespmem:v0+s4+$0x0], $0xffff;
	_ =	sdelay $0x4  }
0xbd: {  	[tilespmem:s22+$0x10] =	vst v0  }
0xbe: {  	v0 =	vld [tilespmem:s21+$0x20];
	_ =	sdelay $0x7  }
0xbf: {  	v0 =	vld.idx.msk [tilespmem:v0+s4+$0x0], $0xffff;
	_ =	sdelay $0x4  }
0xc0: {  	[tilespmem:s22+$0x20] =	vst v0  }
0xc1: {  	v0 =	vld [tilespmem:s21+$0x30];
	_ =	sdelay $0x6  }
0xc2: {  	s20 =	sadd.s32 $0x8, s20  }
0xc3: {  	p0 =	slt.u32 s20, $0x268;
	v0 =	vld.idx.msk [tilespmem:v0+s4+$0x0], $0xffff  }
.Ltmp6:
0xc4: {  	_ = 	snop;
	(pc) =	sbr.rel @p0 .LBB2_15-.Ltmp6, $2  }
0xc5: {  	_ =	sdelay $0x2  }
0xc6: {  	s21 =	sadd.s32 $0x80, s21;
	[tilespmem:s22+$0x30] =	vst v0;
	s22 =	sadd.s32 $0x80, s22  }
0xc7: {  	v0 =	vld [tilespmem:$0x1AF00];
	_ =	sdelay $0x7  }
0xc8: {  	v0 =	vld.idx.msk [tilespmem:v0+s4+$0x0], $0xffff;
	_ =	sdelay $0x2  }
0xc9: {  	s18 =	sadd.s32 $0x1, s18  }
0xca: {  	p0 =	sne.s32 s18, $0x5  }
.Ltmp7:
0xcb: {  	s19 =	sadd.s32 s11, s19;
	[tilespmem:$0x1D680] =	vst v0;
	(pc) =	sbr.rel @p0 .LBB2_14-.Ltmp7, $4  }
0xcc: {  	[hbm4b:s19+s4] =	stream.linear.scatter [tilespmem:s16], [sflag:$0x1], $0x2710, $0x38;
	[tilespmem:$0x1D700] =	vst v63  }
0xcd: {  	_ =	swait.ge [sflag:s14], $0x2710  }
0xce: {  	[sflag:s14] =	ssyncset.done $0x0  }
0xcf: {  	[sflag:s14] =	ssyncadd.s32 $0xFFFFD8F0  }
0xd0: {  	s17 =	sadd.s32 $0x1, s17  }
0xd1: {  	p0 =	sne.s32 s17, s13  }
.Ltmp8:
0xd2: {  	_ = 	snop;
	(pc) =	sbr.rel @p0 .LBB2_1-.Ltmp8, $1  }
0xd3: {  	_ =	sdelay $0x3  }
0xd4: {  	_ =	sfence.sel $0x180000  }
0xd5: {  	[bflag:$0x0] =	sbarrier.arrive $0xFFFF  }
0xd6: {  	p0 =	sne.s32 s6, $0x0;
	_ =	strace $0x9000004A  }
0xd7: {  	s0 =	sadd.s32 @!p0 $0x100000, s0;
	[bflag:$0x2] =	sbarrier.arrive $0xFFFF  }
0xd8: {  	[sflag:s0] =	ssyncadd.tile.s32 @!p0 $0x1;
	_ =	shalt  }
.Lfunc_end2:
_tile_overlayer_lowered:
.L_overlay_start_2:
0xd9: {  	(tag) =	ssettag $0x2  }
0xda: {  	s0 =	rddreg [dreg:$0x0];
	s2 =	stileid.u32  }
0xdb: {  	s1 =	rddreg [dreg:$0x1];
	p0 =	sne.s32 s2, $0x0  }
0xdc: {  	s3 =	rddreg [dreg:$0x2];
	[bflag:$0x3] =	sbarrier.arrive $0xFFFF;
	s2 =	simm.s32 @!p0 $0x1C01  }
0xdd: {  	[timem:s3], [sflag:s2] =	dma.local @!p0 [hbm:s0], s1  }
0xde: {  	s0 =	simm.s32 @!p0 $0x1  }
0xdf: {  	_ =	swait.ge @!p0 [sflag:s0], s1  }
0xe0: {  	s1 =	ssub.s32 @!p0 $0x0, s1;
	[sflag:s0] =	ssyncset.done @!p0 $0x0  }
0xe1: {  	[sflag:s0] =	ssyncadd.s32 @!p0 s1  }
0xe2: {  	[bflag:$0x3] =	sbarrier.arrive $0xFFFF  }
0xe3: {  	_ =	shalt  }

// kernel: kernel.7.cloned.1.call-start
scs
__scs_entry_jumppad:
0x0: {  	(pc) =	sbr.rel $0x88, $3  }
0x1: {  	(tag) =	ssettag $0x0;
	lr =	simm.s32 $0x1  }
0x2: {  	[smem:$0x3F9D] =	sst lr;
	_ =	strace $0xD0000000  }
0x3: {  	_ = 	snop  }
0x4: {  	_ = 	snop  }
0x5: {  	_ = 	snop  }
0x6: {  	_ = 	snop  }
0x7: {  	_ = 	snop  }
__scs_overlays_trampoline_lowered:
0x8: {  	[smem:$0x3FAC] =	sst s0  }
0x9: {  	[smem:$0x3FAD] =	sst s1  }
0xa: {  	[smem:$0x3FAE] =	sst s2  }
0xb: {  	[smem:$0x3FAF] =	sst s3  }
0xc: {  	[smem:$0x3FB0] =	sst s4  }
0xd: {  	[smem:$0x3FB1] =	sst s5  }
0xe: {  	[smem:$0x3FB2] =	sst s6  }
0xf: {  	[smem:$0x3FB3] =	sst s7  }
0x10: {  	[smem:$0x3FB4] =	sst s8  }
0x11: {  	[smem:$0x3FB5] =	sst s9;
	s0 =	simm.s32 @!p0 $0x0  }
0x12: {  	s1 =	sld [smem:$0x3F9B];
	s0 =	simm.s32 @p0 $0x1  }
0x13: {  	[smem:$0x3FB6] =	sst s0;
	s0 =	simm.s32 @!p1 $0x0  }
0x14: {  	s2 =	sld [smem:$0x3F9A];
	s0 =	simm.s32 @p1 $0x1  }
0x15: {  	[smem:$0x3FB7] =	sst s0;
	s0 =	simm.s32 @!p2 $0x0  }
0x16: {  	s3 =	sld [smem:$0x3FDB];
	s0 =	simm.s32 @p2 $0x1  }
0x17: {  	s4 =	simm.s32 $0x1BF5;
	[smem:$0x3FB9] =	sst s0  }
0x18: {  	s0 =	sld [smem:$0x3F9C];
	_ =	swait.ge [sflag:s4], $0x0  }
0x19: {  	s7 =	sld [smem:$0x3F9D]  }
0x1a: {  	s8 =	sadd.s32 $0xFFFFE003, lr  }
0x1b: {  	s9 =	sadd.s32 $0xFFFFFEF7, lr;
	s5 =	simm.s32 $0xFFFFFFFF;
	p2 =	slt.u32 s8, $0xFFFFF086  }
0x1c: {  	p1 =	slt.u32 s9, $0xF7A;
	s5 =	simm.s32 @!p2 $0x0  }
0x1d: {  	s5 =	simm.s32 @p1 $0x1;
	p0 =	seq.s32 s7, s2  }
0x1e: {  	s7 =	smul.u32 @!p0 $0xF7A, s2;
	p2 =	seq.s32 @!p0 s5, $0x0  }
0x1f: {  	s9 =	smul.u32 $0xF7A, s1;
	s8 =	simm.s32 @!p0 $0x1BF5;
	p2 =	por !p2, p0  }
0x20: {  	[sflag:s8] =	ssyncset.s32 @!p0 $0xFFFFF086;
	s6 =	sadd.s32 @!p0 s3, s7;
	s7 =	simm.s32 @!p0 $0x108  }
0x21: {  	s3 =	sadd.s32 s3, s9;
	s6 =	sadd.s32 @!p0 $0x88, s6;
	s7 =	simm.s32 @p2 $0x1082  }
0x22: {  	[simem:s7], [sflag:s8] =	dma.local @!p0 [hbm:s6], $0xF7A  }
0x23: {  	s9 =	sor.u32 $0xD0000000, s2;
	s6 =	simm.s32 $0x108;
	_ =	swait.ge @!p0 [sflag:s8], $0x0  }
0x24: {  	s3 =	sadd.s32 $0x88, s3;
	s6 =	simm.s32 @!p1 $0x1082;
	[sflag:s4] =	ssyncset.s32 $0xFFFFF086  }
0x25: {  	[simem:s6], [sflag:s4] =	dma.local [hbm:s3], $0xF7A  }
0x26: {  	[smem:$0x3F9D] =	sst s1;
	(tag) =	ssettag s2;
	_ =	strace s9  }
0x27: {  	s1 =	sld [smem:$0x3FAD]  }
0x28: {  	s2 =	sld [smem:$0x3FAE]  }
0x29: {  	s4 =	sld [smem:$0x3FB0]  }
0x2a: {  	p0 =	seq.s32 s5, $0x0;
	s5 =	sld [smem:$0x3FB1]  }
0x2b: {  	s6 =	sld [smem:$0x3FB2]  }
0x2c: {  	s7 =	sld [smem:$0x3FB3]  }
0x2d: {  	s3 =	simm.s32 $0x108;
	s8 =	sld [smem:$0x3FB4]  }
0x2e: {  	s3 =	simm.s32 @!p0 $0x1082;
	s9 =	sld [smem:$0x3FB5]  }
0x2f: {  	lr =	sadd.s32 s0, s3;
	s0 =	sld [smem:$0x3FAC]  }
0x30: {  	s3 =	sld [smem:$0x3FAF]  }
0x31: {  	[smem:$0x3FB8] =	sst s10  }
0x32: {  	s10 =	sld [smem:$0x3FB6];
	_ =	sdelay $0x3  }
0x33: {  	p0 =	seq.s32 s10, $0x1;
	s10 =	sld [smem:$0x3FB8];
	_ =	sdelay $0x3  }
0x34: {  	[smem:$0x3FB8] =	sst s10  }
0x35: {  	s10 =	sld [smem:$0x3FB7];
	_ =	sdelay $0x3  }
0x36: {  	p1 =	seq.s32 s10, $0x1;
	s10 =	sld [smem:$0x3FB8];
	_ =	sdelay $0x3  }
0x37: {  	[smem:$0x3FB8] =	sst s10  }
0x38: {  	s10 =	sld [smem:$0x3FB9]  }
0x39: {  	_ = 	snop;
	(pc) =	sbr.ind lr, $3  }
0x3a: {  	_ = 	snop  }
0x3b: {  	_ = 	snop  }
0x3c: {  	p2 =	seq.s32 s10, $0x1;
	s10 =	sld [smem:$0x3FB8]  }
0x3d: {  	_ =	shalt  }
0x3e: {  	_ =	shalt  }
0x3f: {  	_ =	shalt  }
0x40: {  	_ =	shalt  }
0x41: {  	_ =	shalt  }
0x42: {  	_ =	shalt  }
0x43: {  	_ =	shalt  }
0x44: {  	_ =	shalt  }
0x45: {  	_ =	shalt  }
0x46: {  	_ =	shalt  }
0x47: {  	_ =	shalt  }
0x48: {  	_ =	shalt  }
0x49: {  	_ =	shalt  }
0x4a: {  	_ =	shalt  }
0x4b: {  	_ =	shalt  }
0x4c: {  	_ =	shalt  }
0x4d: {  	_ =	shalt  }
0x4e: {  	_ =	shalt  }
0x4f: {  	_ =	shalt  }
0x50: {  	_ =	shalt  }
0x51: {  	_ =	shalt  }
0x52: {  	_ =	shalt  }
0x53: {  	_ =	shalt  }
0x54: {  	_ =	shalt  }
0x55: {  	_ =	shalt  }
0x56: {  	_ =	shalt  }
0x57: {  	_ =	shalt  }
0x58: {  	_ =	shalt  }
0x59: {  	_ =	shalt  }
0x5a: {  	_ =	shalt  }
0x5b: {  	_ =	shalt  }
0x5c: {  	_ =	shalt  }
0x5d: {  	_ =	shalt  }
0x5e: {  	_ =	shalt  }
0x5f: {  	_ =	shalt  }
0x60: {  	_ =	shalt  }
0x61: {  	_ =	shalt  }
0x62: {  	_ =	shalt  }
0x63: {  	_ =	shalt  }
0x64: {  	_ =	shalt  }
0x65: {  	_ =	shalt  }
0x66: {  	_ =	shalt  }
0x67: {  	_ =	shalt  }
0x68: {  	_ =	shalt  }
0x69: {  	_ =	shalt  }
0x6a: {  	_ =	shalt  }
0x6b: {  	_ =	shalt  }
0x6c: {  	_ =	shalt  }
0x6d: {  	_ =	shalt  }
0x6e: {  	_ =	shalt  }
0x6f: {  	_ =	shalt  }
0x70: {  	_ =	shalt  }
0x71: {  	_ =	shalt  }
0x72: {  	_ =	shalt  }
0x73: {  	_ =	shalt  }
0x74: {  	_ =	shalt  }
0x75: {  	_ =	shalt  }
0x76: {  	_ =	shalt  }
0x77: {  	_ =	shalt  }
0x78: {  	_ =	shalt  }
0x79: {  	_ =	shalt  }
0x7a: {  	_ =	shalt  }
0x7b: {  	_ =	shalt  }
0x7c: {  	_ =	shalt  }
0x7d: {  	_ =	shalt  }
0x7e: {  	_ =	shalt  }
0x7f: {  	_ =	shalt  }
0x80: {  	_ =	shalt  }
0x81: {  	_ =	shalt  }
0x82: {  	_ =	shalt  }
0x83: {  	_ =	shalt  }
0x84: {  	_ =	shalt  }
0x85: {  	_ =	shalt  }
0x86: {  	_ =	shalt  }
0x87: {  	_ =	shalt  }
.Lfunc_end0:
.L_simem_size_0:
called_computation_lowered:
.L_overlay_start_0:
0x88: {  	s2 =	sld [smem:$0x3FD9]  }
0x89: {  	s3 =	sld [smem:$0x3FFE];
	_ =	sdelay $0x1  }
0x8a: {  	s1 =	srdreg.scid  }
0x8b: {  	s0 =	sand.u32 $0x1, s1  }
0x8c: {  	s14 =	sshll.u32 s0, $0xA;
	s2 =	sadd.s32 s3, s2  }
0x8d: {  	s2 =	sadd.s32 s2, s14  }
0x8e: {  	[smem:$0x3FC4] =	sst s2  }
0x8f: {  	_ = 	snop  }
0x90: {  	s2 =	sld [smem:$0x3FD0];
	_ =	sdelay $0x2  }
0x91: {  	s15 =	simm.s32 $0xA;
	s4 =	simm.s32 $0x10  }
0x92: {  	[smem:s4], [sflag:s15] =	dma.local [hbm:s2], $0x1  }
0x93: {  	_ =	swait.eq [sflag:s15], $0x1  }
0x94: {  	s16 =	sld [smem:$0x10];
	[sflag:s15] =	ssyncset.done $0x0  }
0x95: {  	s17 =	sld [smem:$0x11];
	[sflag:s15] =	ssyncadd.s32 $0xFFFFFFFF  }
0x96: {  	s18 =	sld [smem:$0x12];
	(tm) =	ssettm $0x1  }
0x97: {  	s5 =	sld [smem:$0x3FFB];
	_ =	sdelay $0x3  }
0x98: {  	_ =	strace s5  }
0x99: {  	s5 =	sld [smem:$0x3FFC];
	_ =	sdelay $0x3  }
0x9a: {  	_ =	strace s5  }
0x9b: {  	s5 =	sld [smem:$0x3FFD];
	_ =	sdelay $0x3  }
0x9c: {  	_ =	strace s5  }
0x9d: {  	_ =	strace $0x8FFFFFFF  }
0x9e: {  	s19 =	sld [smem:$0x3FDB];
	_ =	sdelay $0x1  }
0x9f: {  	s6 =	simm.s32 $_scs_section_size  }
0xa0: {  	s7 =	simm.s32 $_size__tile_overlayer_lowered;
	s8 =	simm.s32 $_tile_overlayer_lowered  }
0xa1: {  	s22 =	simm.s32 $0x1BFF;
	s21 =	sshll.u32 s8, $0x1;
	s5 =	sadd.s32 s6, s19  }
0xa2: {  	s9 =	simm.s32 $0x0;
	s20 =	sshll.u32 s7, $0x1;
	s7 =	sadd.s32 s21, s5  }
0xa3: {  	[timem:s9], [sflag:s22] =	dma.local [hbm:s7], s20  }
0xa4: {  	_ =	swait.ge [sflag:s22], s20  }
0xa5: {  	s6 =	ssub.s32 $0x0, s20;
	[sflag:s22] =	ssyncset.done $0x0  }
0xa6: {  	[sflag:s22] =	ssyncadd.s32 s6;
	_ =	sdelay $0x1  }
0xa7: {  	s23 =	simm.s32 $0x1B8B  }
0xa8: {  	_ =	swait.ge [sflag:s23], $0x1  }
0xa9: {  	[sflag:s23] =	ssyncset.done $0x0  }
0xaa: {  	s25 =	simm.s32 $0x1B8E;
	s24 =	sld [smem:$0x3FFE];
	[sflag:s23] =	ssyncadd.s32 $0xFFFFFFFF  }
0xab: {  	s26 =	simm.s32 $execute0_lowered;
	[smem:$0x3FD2] =	sst s25  }
0xac: {  	s7 =	sshll.u32 s26, $0x1;
	_ =	strace $0x80000046;
	[dreg:$0x1] =	wrdreg $0xFFFFFFFF  }
0xad: {  	s28 =	simm.s32 $_size_execute0_lowered;
	s5 =	sadd.s32 s5, s7;
	[dreg:$0x0] =	wrdreg $0x0  }
0xae: {  	s7 =	sshll.u32 s28, $0x1;
	[dreg:$0x2] =	wrdreg s5  }
0xaf: {  	[dreg:$0x3] =	wrdreg s7  }
0xb0: {  	[dreg:$0x4] =	wrdreg $0xC0  }
0xb1: {  	_ =	task [dreg:s9], $0x5FFFF  }
0xb2: {  	[dreg:$0x1] =	wrdreg $0xFFFFFFFF  }
0xb3: {  	[dreg:$0x0] =	wrdreg $0x60  }
0xb4: {  	[dreg:$0x2] =	wrdreg s17  }
0xb5: {  	[dreg:$0x3] =	wrdreg s18  }
0xb6: {  	[dreg:$0x4] =	wrdreg s24  }
0xb7: {  	[dreg:$0x5] =	wrdreg s16  }
0xb8: {  	[dreg:$0x6] =	wrdreg $0x31800  }
0xb9: {  	[dreg:$0x7] =	wrdreg $0x4A000  }
0xba: {  	[dreg:$0x8] =	wrdreg $0x62800  }
0xbb: {  	[dreg:$0x9] =	wrdreg $0x9  }
0xbc: {  	_ =	task.clear_ibuf [dreg:s9], $0xAFFFF;
	_ =	strace $0x90000046  }
0xbd: {  	s29 =	simm.s32 $0x9;
	_ =	strace $0x80000048  }
0xbe: {  	_ =	swait.ge [sflag:s29], $0x1  }
0xbf: {  	[sflag:s29] =	ssyncadd.s32 $0xFFFFFFFF  }
0xc0: {  	_ =	strace $0x90000048  }
0xc1: {  	_ =	sfence  }
0xc2: {  	s30 =	sld [smem:$0x0];
	_ =	sdelay $0x2  }
0xc3: {  	s31 =	sshll.u32 s1, $0xD;
	s1 =	sshrl.u32 s1, $0x2  }
0xc4: {  	s3 =	sand.u32 $0x4000, s31;
	s1 =	sadd.s32 s1, s30  }
0xc5: {  	s0 =	sor.u32 s3, s0;
	s1 =	sshll.u32 s1, $0x11  }
0xc6: {  	s0 =	sor.u32 s1, s0  }
0xc7: {  	s0 =	sadd.s32 $0x8F2B, s0  }
0xc8: {  	[sflag:s0] =	ssyncadd.remote.s32 $0x1  }
0xc9: {  	_ =	sfence.sel $0xFFFF  }
0xca: {  	[dreg:$0x0] =	wrdreg $0xFFFFFFFF;
	(pc) =	sbr.abs _section_cstart, $3  }
0xcb: {  	[dreg:$0x1] =	wrdreg $0xFFFFFFFF  }
0xcc: {  	_ =	task.clear_ibuf [dreg:s9], $0x2FFFF;
	_ =	strace $0x9FFFFFFF  }
0xcd: {  	(tm) =	ssettm $0x7FFFFFFF  }
tec
execute0_lowered:
.L_overlay_start_1:
0x0: {  	(tag) =	ssettag $0x1  }
0x1: {  	s14 =	rddreg [dreg:$0x0]  }
0x2: {  	s15 =	rddreg [dreg:$0x1]  }
0x3: {  	s0 =	rddreg [dreg:$0x2]  }
0x4: {  	s1 =	rddreg [dreg:$0x3]  }
0x5: {  	s3 =	rddreg [dreg:$0x4]  }
0x6: {  	s5 =	rddreg [dreg:$0x5]  }
0x7: {  	s6 =	rddreg [dreg:$0x6]  }
0x8: {  	s7 =	simm.s32 $0x0;
	s16 =	stileid.u32;
	s8 =	srdreg.scid  }
0x9: {  	s28 =	simm.s32 $0x2480;
	s29 =	simm.s32 $0x80;
	s30 =	simm.s32 $0x2380  }
0xa: {  	s31 =	simm.s32 $0x2F80;
	[smem:$0x7FF] =	sst s7;
	s2 =	smul.u32 $0x190, s16  }
0xb: {  	s4 =	smul.u32 $0x1880, s16;
	s9 =	sadd.s32 $0x5C00, s0;
	s8 =	sand.u32 $0x1, s8  }
0xc: {  	s24 =	sshll.u32 s16, $0x1;
	s26 =	smul.u32 $0x19, s16;
	p1 =	sgt.u32 s16, $0x9  }
0xd: {  	s16 =	simm.s32 $0x1;
	_ =	strace $0x80000047;
	[dreg:$0x8] =	wrdreg s9  }
0xe: {  	s11 =	ssub.s32 $0x2, s8;
	s9 =	sor.u32 s8, s24;
	p0 =	sne.s32 s8, $0x0  }
0xf: {  	s8 =	simm.s32 $0x0;
	s2 =	sadd.s32 s2, s0;
	s10 =	sshrl.u32 s4, $0x3  }
0x10: {  	s12 =	sshrl.u32 s11, $0x1;
	s20 =	sadd.s32 s4, s3;
	s13 =	sadd.s32 s4, s5  }
0x11: {  	s25 =	sshll.u32 s9, $0x4;
	s4 =	sadd.s32 s4, s6;
	[dreg:$0xa] =	wrdreg s13  }
0x12: {  	s22 =	ssub.s32 $0x187, s26;
	s0 =	sadd.s32 s10, s0;
	[dreg:$0xb] =	wrdreg s4  }
0x13: {  	s11 =	ssub.s32 s11, s12;
	s4 =	smin.u32 s22, $0x19;
	[dreg:$0x9] =	wrdreg s20  }
0x14: {  	s12 =	sor.u32 $0x30C00, s25;
	s1 =	sadd.s32 s1, s10;
	[dreg:$0x10] =	wrdreg s4  }
0x15: {  	s25 =	sadd.s32 $0x2800, s2;
	s26 =	sadd.s32 $0x4200, s2;
	[dreg:$0x11] =	wrdreg s1  }
0x16: {  	s22 =	simm.s32 $0x2D80;
	s10 =	simm.s32 $0x2280;
	[dreg:$0x15] =	wrdreg s25  }
0x17: {  	s2 =	simm.s32 $0x2F00;
	s17 =	sadd.s32 s14, s12;
	[dreg:$0x16] =	wrdreg s26  }
0x18: {  	s18 =	sadd.s32 s15, s12;
	s19 =	sadd.s32 $0x5E00, s0;
	[dreg:$0xc] =	wrdreg s17  }
0x19: {  	s21 =	sadd.s32 $0xC200, s0;
	s23 =	sadd.s32 $0x9000, s0;
	[dreg:$0xd] =	wrdreg s18  }
0x1a: {  	s0 =	sadd.s32 $0xF400, s0;
	s24 =	smax.u32 s11, $0x1;
	[dreg:$0xe] =	wrdreg s19  }
0x1b: {  	s25 =	simm.s32 $0x2;
	s26 =	simm.s32 $0x1880;
	[dreg:$0xf] =	wrdreg s21  }
.Ltmp0:
0x1c: {  	s14 =	simm.s32 $0x2100;
	[dreg:$0x12] =	wrdreg s23;
	(pc) =	sbr.rel .LBB2_1-.Ltmp0, $4  }
0x1d: {  	s12 =	simm.s32 $0x2E00;
	s11 =	simm.s32 $0x2E80;
	[dreg:$0x13] =	wrdreg s0  }
0x1e: {  	s1 =	simm.s32 $0x2400;
	s15 =	simm.s32 $0x3000;
	[dreg:$0x14] =	wrdreg s24  }
0x1f: {  	s24 =	simm.s32 $0x3100;
	s17 =	simm.s32 $0x2D00;
	s21 =	simm.s32 $0x2180  }
0x20: {  	v0 =	vimm.s32 $0x0;
	v1 =	vimm.s32 $0xFFFFFFFF;
	s23 =	simm.s32 $0x2200;
	s0 =	simm.s32 $0x2300;
	s18 =	simm.s32 $0x3080  }
.LBB2_17:
0x21: {  	s4 =	stileid.u32;
	[bflag:$0x0] =	sbarrier.arrive $0xFFFF  }
0x22: {  	s4 =	sshll.u32 s4, $0x6;
	s20 =	rddreg [dreg:$0x9]  }
0x23: {  	s13 =	rddreg [dreg:$0xe];
	s4 =	sor.u32 $0x1C02, s4;
	s8 =	sshrl.u32 s20, $0x3  }
0x24: {  	[hbm:s13], [sflag:s4] =	dma.local [spmem:s8], $0x310  }
0x25: {  	_ =	swait.ge [sflag:s25], $0x310  }
0x26: {  	[sflag:s25] =	ssyncset.done $0x0;
	s13 =	rddreg [dreg:$0xa]  }
0x27: {  	s19 =	rddreg [dreg:$0xf];
	[sflag:s25] =	ssyncadd.s32 $0xFFFFFCF0;
	s8 =	sshrl.u32 s13, $0x3  }
0x28: {  	[hbm:s19], [sflag:s4] =	dma.local [spmem:s8], $0x310  }
0x29: {  	s8 =	rddreg [dreg:$0x17]  }
.LBB2_15:
0x2a: {  	_ =	swait.ge [sflag:s25], $0x310  }
0x2b: {  	s8 =	sadd.s32 $0x1, s8;
	s4 =	rddreg [dreg:$0x14]  }
0x2c: {  	p2 =	sne.s32 s8, s4  }
.Ltmp1:
0x2d: {  	_ = 	snop;
	(pc) =	sbr.rel @!p2 .LBB2_16-.Ltmp1, $3  }
0x2e: {  	_ =	sdelay $0x1  }
0x2f: {  	[sflag:s25] =	ssyncset.done $0x0  }
0x30: {  	[sflag:s25] =	ssyncadd.s32 $0xFFFFFCF0  }
.LBB2_1:
0x31: {  	[dreg:$0x17] =	wrdreg s8  }
0x32: {  	s4 =	rddreg [dreg:$0x8]  }
0x33: {  	[tilespmem:s24], [sflag:$0x2] =	stream.linear.gather [hbm4b:s4+s7], $0x80, $0x38;
	[tilespmem:$0x7B00] =	vst v63  }
0x34: {  	_ =	swait.ge [sflag:s25], $0x80  }
0x35: {  	[sflag:s25] =	ssyncset.done $0x0  }
0x36: {  	s4 =	simm.s32 $0x40;
	[sflag:s25] =	ssyncadd.s32 $0xFFFFFF80  }
0x37: {  	[tilespmem:s4+$0xFFFFFFC0] =	vst v0  }
0x38: {  	[tilespmem:s4+$0x30] =	vst v0  }
0x39: {  	[tilespmem:s4+$0x20] =	vst v0  }
0x3a: {  	[tilespmem:s4+$0x10] =	vst v0  }
0x3b: {  	[tilespmem:s4+$0x0] =	vst v0  }
0x3c: {  	[tilespmem:s4+$0xFFFFFFF0] =	vst v0  }
0x3d: {  	s19 =	simm.s32 $0x0;
	[tilespmem:s4+$0xFFFFFFE0] =	vst v0  }
.LBB2_2:
0x3e: {  	s19 =	sadd.s32 $0x8, s19;
	[tilespmem:s4+$0xFFFFFFD0] =	vst v0;
	s4 =	sadd.s32 $0x80, s4  }
0x3f: {  	[tilespmem:s4+$0xFFFFFFC0] =	vst v0;
	p2 =	slt.u32 s19, $0x180  }
0x40: {  	[tilespmem:s4+$0x30] =	vst v0  }
.Ltmp2:
0x41: {  	[tilespmem:s4+$0x20] =	vst v0;
	(pc) =	sbr.rel @p2 .LBB2_2-.Ltmp2, $4  }
0x42: {  	[tilespmem:s4+$0x10] =	vst v0  }
0x43: {  	[tilespmem:s4+$0x0] =	vst v0  }
0x44: {  	[tilespmem:s4+$0xFFFFFFF0] =	vst v0  }
0x45: {  	[tilespmem:s4+$0xFFFFFFE0] =	vst v0  }
0x46: {  	[tilespmem:s4+$0xFFFFFFD0] =	vst v0  }
0x47: {  	[spmem:s20] =	stream.linear.scatter [tilespmem:s7], [sflag:$0x2], $0x1880, $0x38;
	[tilespmem:$0x7B00] =	vst v63  }
0x48: {  	_ =	swait.ge [sflag:s25], $0x1880  }
0x49: {  	[sflag:s25] =	ssyncset.done $0x0  }
0x4a: {  	s20 =	rddreg [dreg:$0xa];
	[sflag:s25] =	ssyncadd.s32 $0xFFFFE780  }
0x4b: {  	[spmem:s20] =	stream.linear.scatter [tilespmem:s7], [sflag:$0x2], $0x1880, $0x38;
	[tilespmem:$0x7B00] =	vst v63  }
0x4c: {  	_ =	swait.ge [sflag:s25], $0x1880  }
0x4d: {  	[sflag:s25] =	ssyncset.done $0x0  }
0x4e: {  	s4 =	simm.s32 $0x40;
	[sflag:s25] =	ssyncadd.s32 $0xFFFFE780  }
0x4f: {  	[tilespmem:s4+$0xFFFFFFC0] =	vst v1  }
0x50: {  	[tilespmem:s4+$0x30] =	vst v1  }
0x51: {  	[tilespmem:s4+$0x20] =	vst v1  }
0x52: {  	[tilespmem:s4+$0x10] =	vst v1  }
0x53: {  	[tilespmem:s4+$0x0] =	vst v1  }
0x54: {  	[tilespmem:s4+$0xFFFFFFF0] =	vst v1;
	s8 =	rddreg [dreg:$0x0]  }
0x55: {  	s19 =	simm.s32 $0x0;
	[tilespmem:s4+$0xFFFFFFE0] =	vst v1;
	s13 =	rddreg [dreg:$0x1]  }
.LBB2_4:
0x56: {  	s19 =	sadd.s32 $0x8, s19;
	[tilespmem:s4+$0xFFFFFFD0] =	vst v1;
	s4 =	sadd.s32 $0x80, s4  }
0x57: {  	[tilespmem:s4+$0xFFFFFFC0] =	vst v1;
	p2 =	slt.u32 s19, $0x180  }
0x58: {  	[tilespmem:s4+$0x30] =	vst v1  }
.Ltmp3:
0x59: {  	[tilespmem:s4+$0x20] =	vst v1;
	(pc) =	sbr.rel @p2 .LBB2_4-.Ltmp3, $4  }
0x5a: {  	[tilespmem:s4+$0x10] =	vst v1  }
0x5b: {  	[tilespmem:s4+$0x0] =	vst v1  }
0x5c: {  	[tilespmem:s4+$0xFFFFFFF0] =	vst v1  }
0x5d: {  	[tilespmem:s4+$0xFFFFFFE0] =	vst v1  }
0x5e: {  	[tilespmem:s4+$0xFFFFFFD0] =	vst v1;
	s4 =	simm.s32 @!p0 $0x0;
	s19 =	rddreg [dreg:$0xb]  }
0x5f: {  	[spmem:s19] =	stream.linear.scatter @!p0 [tilespmem:s4], [sflag:$0x2], $0x1880, $0x38;
	[tilespmem:$0x7B00] =	vst v63  }
0x60: {  	s4 =	simm.s32 @!p0 $0x2  }
.Ltmp4:
0x61: {  	_ =	swait.ge @!p0 [sflag:s4], $0x1880;
	(pc) =	sbr.rel .LBB2_6-.Ltmp4, $4  }
0x62: {  	[sflag:s4] =	ssyncset.done @!p0 $0x0  }
0x63: {  	[sflag:s4] =	ssyncadd.s32 @!p0 $0xFFFFE780  }
0x64: {  	[bflag:$0x0] =	sbarrier.arrive $0xFFFF  }
0x65: {  	s19 =	simm.s32 $0x0  }
.LBB2_10:
0x66: {  	s19 =	sadd.s32 $0x1, s19  }
0x67: {  	p2 =	sne.s32 s19, $0x11  }
.Ltmp5:
0x68: {  	_ = 	snop;
	(pc) =	sbr.rel @!p2 .LBB2_11-.Ltmp5, $1  }
0x69: {  	_ =	sdelay $0x3  }
.LBB2_6:
0x6a: {  	s4 =	sshll.u32 s19, $0x5  }
0x6b: {  	s4 =	sor.u32 s9, s4  }
0x6c: {  	p2 =	sgt.u32 s4, $0x207  }
.Ltmp6:
0x6d: {  	_ = 	snop;
	(pc) =	sbr.rel @p2 .LBB2_10-.Ltmp6, $1  }
0x6e: {  	_ =	sdelay $0x3  }
0x6f: {  	s4 =	smul.u32 $0x180, s4;
	_ =	sdelay $0x1  }
0x70: {  	s20 =	sadd.s32 s8, s4  }
0x71: {  	[tilespmem:s26], [sflag:$0x2] =	stream.linear.gather [hbm4b:s20+s7], $0xC00, $0x38;
	[tilespmem:$0x7B00] =	vst v63  }
0x72: {  	_ =	swait.ge [sflag:s25], $0xC00  }
0x73: {  	[sflag:s25] =	ssyncset.done $0x0  }
0x74: {  	s4 =	sadd.s32 s13, s4;
	[sflag:s25] =	ssyncadd.s32 $0xFFFFF400  }
0x75: {  	[tilespmem:s28], [sflag:$0x2] =	stream.linear.gather [hbm4b:s4+s7], $0xC00, $0x38;
	[tilespmem:$0x7B00] =	vst v63  }
0x76: {  	_ =	swait.ge [sflag:s25], $0xC00  }
0x77: {  	[sflag:s25] =	ssyncset.done $0x0  }
0x78: {  	[sflag:s25] =	ssyncadd.s32 $0xFFFFF400  }
0x79: {  	[spmem:s3] =	stream.indirect.scatter [tilespmem:s24], [sflag:$0x1], $0x1, s26, s29, $0xb8;
	[tilespmem:$0x7B00] =	vst v63  }
0x7a: {  	_ = 	snop  }
0x7b: {  	[spmem:s5] =	stream.indirect.scatter [tilespmem:s24], [sflag:$0x1], $0x1, s28, s29, $0xb8;
	[tilespmem:$0x7B00] =	vst v63  }
0x7c: {  	s20 =	simm.s32 $0x1900  }
0x7d: {  	[spmem:s3] =	stream.indirect.scatter [tilespmem:s24], [sflag:$0x1], $0x1, s20, s29, $0xb8;
	[tilespmem:$0x7B00] =	vst v63  }
0x7e: {  	s20 =	simm.s32 $0x2500  }
0x7f: {  	[spmem:s5] =	stream.indirect.scatter [tilespmem:s24], [sflag:$0x1], $0x1, s20, s29, $0xb8;
	[tilespmem:$0x7B00] =	vst v63  }
0x80: {  	s20 =	simm.s32 $0x1980  }
0x81: {  	[spmem:s3] =	stream.indirect.scatter [tilespmem:s24], [sflag:$0x1], $0x1, s20, s29, $0xb8;
	[tilespmem:$0x7B00] =	vst v63  }
0x82: {  	s20 =	simm.s32 $0x2580  }
0x83: {  	[spmem:s5] =	stream.indirect.scatter [tilespmem:s24], [sflag:$0x1], $0x1, s20, s29, $0xb8;
	[tilespmem:$0x7B00] =	vst v63  }
0x84: {  	s20 =	simm.s32 $0x1A00  }
0x85: {  	[spmem:s3] =	stream.indirect.scatter [tilespmem:s24], [sflag:$0x1], $0x1, s20, s29, $0xb8;
	[tilespmem:$0x7B00] =	vst v63  }
0x86: {  	s20 =	simm.s32 $0x2600  }
0x87: {  	[spmem:s5] =	stream.indirect.scatter [tilespmem:s24], [sflag:$0x1], $0x1, s20, s29, $0xb8;
	[tilespmem:$0x7B00] =	vst v63  }
0x88: {  	s20 =	simm.s32 $0x1A80  }
0x89: {  	[spmem:s3] =	stream.indirect.scatter [tilespmem:s24], [sflag:$0x1], $0x1, s20, s29, $0xb8;
	[tilespmem:$0x7B00] =	vst v63  }
0x8a: {  	s20 =	simm.s32 $0x2680  }
0x8b: {  	[spmem:s5] =	stream.indirect.scatter [tilespmem:s24], [sflag:$0x1], $0x1, s20, s29, $0xb8;
	[tilespmem:$0x7B00] =	vst v63  }
0x8c: {  	s20 =	simm.s32 $0x1B00  }
0x8d: {  	[spmem:s3] =	stream.indirect.scatter [tilespmem:s24], [sflag:$0x1], $0x1, s20, s29, $0xb8;
	[tilespmem:$0x7B00] =	vst v63  }
0x8e: {  	s20 =	simm.s32 $0x2700  }
0x8f: {  	[spmem:s5] =	stream.indirect.scatter [tilespmem:s24], [sflag:$0x1], $0x1, s20, s29, $0xb8;
	[tilespmem:$0x7B00] =	vst v63  }
0x90: {  	s20 =	simm.s32 $0x1B80  }
0x91: {  	[spmem:s3] =	stream.indirect.scatter [tilespmem:s24], [sflag:$0x1], $0x1, s20, s29, $0xb8;
	[tilespmem:$0x7B00] =	vst v63  }
0x92: {  	s20 =	simm.s32 $0x2780  }
0x93: {  	[spmem:s5] =	stream.indirect.scatter [tilespmem:s24], [sflag:$0x1], $0x1, s20, s29, $0xb8;
	[tilespmem:$0x7B00] =	vst v63  }
0x94: {  	s20 =	simm.s32 $0x1C00  }
0x95: {  	[spmem:s3] =	stream.indirect.scatter [tilespmem:s24], [sflag:$0x1], $0x1, s20, s29, $0xb8;
	[tilespmem:$0x7B00] =	vst v63  }
0x96: {  	s20 =	simm.s32 $0x2800  }
0x97: {  	[spmem:s5] =	stream.indirect.scatter [tilespmem:s24], [sflag:$0x1], $0x1, s20, s29, $0xb8;
	[tilespmem:$0x7B00] =	vst v63  }
0x98: {  	s20 =	simm.s32 $0x1C80  }
0x99: {  	[spmem:s3] =	stream.indirect.scatter [tilespmem:s24], [sflag:$0x1], $0x1, s20, s29, $0xb8;
	[tilespmem:$0x7B00] =	vst v63  }
0x9a: {  	s20 =	simm.s32 $0x2880  }
0x9b: {  	[spmem:s5] =	stream.indirect.scatter [tilespmem:s24], [sflag:$0x1], $0x1, s20, s29, $0xb8;
	[tilespmem:$0x7B00] =	vst v63  }
0x9c: {  	s20 =	simm.s32 $0x1D00  }
0x9d: {  	[spmem:s3] =	stream.indirect.scatter [tilespmem:s24], [sflag:$0x1], $0x1, s20, s29, $0xb8;
	[tilespmem:$0x7B00] =	vst v63  }
0x9e: {  	s20 =	simm.s32 $0x2900  }
0x9f: {  	[spmem:s5] =	stream.indirect.scatter [tilespmem:s24], [sflag:$0x1], $0x1, s20, s29, $0xb8;
	[tilespmem:$0x7B00] =	vst v63  }
0xa0: {  	s20 =	simm.s32 $0x1D80  }
0xa1: {  	[spmem:s3] =	stream.indirect.scatter [tilespmem:s24], [sflag:$0x1], $0x1, s20, s29, $0xb8;
	[tilespmem:$0x7B00] =	vst v63  }
0xa2: {  	s20 =	simm.s32 $0x2980  }
0xa3: {  	[spmem:s5] =	stream.indirect.scatter [tilespmem:s24], [sflag:$0x1], $0x1, s20, s29, $0xb8;
	[tilespmem:$0x7B00] =	vst v63  }
0xa4: {  	s20 =	simm.s32 $0x1E00  }
0xa5: {  	[spmem:s3] =	stream.indirect.scatter [tilespmem:s24], [sflag:$0x1], $0x1, s20, s29, $0xb8;
	[tilespmem:$0x7B00] =	vst v63  }
0xa6: {  	s20 =	simm.s32 $0x2A00  }
0xa7: {  	[spmem:s5] =	stream.indirect.scatter [tilespmem:s24], [sflag:$0x1], $0x1, s20, s29, $0xb8;
	[tilespmem:$0x7B00] =	vst v63  }
0xa8: {  	s20 =	simm.s32 $0x1E80  }
0xa9: {  	[spmem:s3] =	stream.indirect.scatter [tilespmem:s24], [sflag:$0x1], $0x1, s20, s29, $0xb8;
	[tilespmem:$0x7B00] =	vst v63  }
0xaa: {  	s20 =	simm.s32 $0x2A80  }
0xab: {  	[spmem:s5] =	stream.indirect.scatter [tilespmem:s24], [sflag:$0x1], $0x1, s20, s29, $0xb8;
	[tilespmem:$0x7B00] =	vst v63  }
0xac: {  	s20 =	simm.s32 $0x1F00  }
0xad: {  	[spmem:s3] =	stream.indirect.scatter [tilespmem:s24], [sflag:$0x1], $0x1, s20, s29, $0xb8;
	[tilespmem:$0x7B00] =	vst v63  }
0xae: {  	s20 =	simm.s32 $0x2B00  }
0xaf: {  	[spmem:s5] =	stream.indirect.scatter [tilespmem:s24], [sflag:$0x1], $0x1, s20, s29, $0xb8;
	[tilespmem:$0x7B00] =	vst v63  }
0xb0: {  	s20 =	simm.s32 $0x1F80  }
0xb1: {  	[spmem:s3] =	stream.indirect.scatter [tilespmem:s24], [sflag:$0x1], $0x1, s20, s29, $0xb8;
	[tilespmem:$0x7B00] =	vst v63  }
0xb2: {  	s20 =	simm.s32 $0x2B80  }
0xb3: {  	[spmem:s5] =	stream.indirect.scatter [tilespmem:s24], [sflag:$0x1], $0x1, s20, s29, $0xb8;
	[tilespmem:$0x7B00] =	vst v63  }
0xb4: {  	s20 =	simm.s32 $0x2000  }
0xb5: {  	[spmem:s3] =	stream.indirect.scatter [tilespmem:s24], [sflag:$0x1], $0x1, s20, s29, $0xb8;
	[tilespmem:$0x7B00] =	vst v63  }
0xb6: {  	s20 =	simm.s32 $0x2C00  }
0xb7: {  	[spmem:s5] =	stream.indirect.scatter [tilespmem:s24], [sflag:$0x1], $0x1, s20, s29, $0xb8;
	[tilespmem:$0x7B00] =	vst v63  }
0xb8: {  	s20 =	simm.s32 $0x2080  }
0xb9: {  	[spmem:s3] =	stream.indirect.scatter [tilespmem:s24], [sflag:$0x1], $0x1, s20, s29, $0xb8;
	[tilespmem:$0x7B00] =	vst v63  }
0xba: {  	s20 =	simm.s32 $0x2C80  }
0xbb: {  	[spmem:s5] =	stream.indirect.scatter [tilespmem:s24], [sflag:$0x1], $0x1, s20, s29, $0xb8;
	[tilespmem:$0x7B00] =	vst v63  }
0xbc: {  	_ = 	snop  }
0xbd: {  	[spmem:s3] =	stream.indirect.scatter [tilespmem:s24], [sflag:$0x1], $0x1, s14, s29, $0xb8;
	[tilespmem:$0x7B00] =	vst v63  }
0xbe: {  	_ = 	snop  }
0xbf: {  	[spmem:s5] =	stream.indirect.scatter [tilespmem:s24], [sflag:$0x1], $0x1, s17, s29, $0xb8;
	[tilespmem:$0x7B00] =	vst v63  }
0xc0: {  	_ = 	snop  }
0xc1: {  	[spmem:s3] =	stream.indirect.scatter [tilespmem:s24], [sflag:$0x1], $0x1, s21, s29, $0xb8;
	[tilespmem:$0x7B00] =	vst v63  }
0xc2: {  	_ = 	snop  }
0xc3: {  	[spmem:s5] =	stream.indirect.scatter [tilespmem:s24], [sflag:$0x1], $0x1, s22, s29, $0xb8;
	[tilespmem:$0x7B00] =	vst v63  }
0xc4: {  	_ = 	snop  }
0xc5: {  	[spmem:s3] =	stream.indirect.scatter [tilespmem:s24], [sflag:$0x1], $0x1, s23, s29, $0xb8;
	[tilespmem:$0x7B00] =	vst v63  }
0xc6: {  	_ = 	snop  }
0xc7: {  	[spmem:s5] =	stream.indirect.scatter [tilespmem:s24], [sflag:$0x1], $0x1, s12, s29, $0xb8;
	[tilespmem:$0x7B00] =	vst v63  }
0xc8: {  	_ = 	snop  }
0xc9: {  	[spmem:s3] =	stream.indirect.scatter [tilespmem:s24], [sflag:$0x1], $0x1, s10, s29, $0xb8;
	[tilespmem:$0x7B00] =	vst v63  }
0xca: {  	_ = 	snop  }
0xcb: {  	[spmem:s5] =	stream.indirect.scatter [tilespmem:s24], [sflag:$0x1], $0x1, s11, s29, $0xb8;
	[tilespmem:$0x7B00] =	vst v63  }
0xcc: {  	_ = 	snop  }
0xcd: {  	[spmem:s3] =	stream.indirect.scatter [tilespmem:s24], [sflag:$0x1], $0x1, s0, s29, $0xb8;
	[tilespmem:$0x7B00] =	vst v63  }
0xce: {  	_ = 	snop  }
0xcf: {  	[spmem:s5] =	stream.indirect.scatter [tilespmem:s24], [sflag:$0x1], $0x1, s2, s29, $0xb8;
	[tilespmem:$0x7B00] =	vst v63  }
0xd0: {  	_ = 	snop  }
0xd1: {  	[spmem:s3] =	stream.indirect.scatter [tilespmem:s24], [sflag:$0x1], $0x1, s30, s29, $0xb8;
	[tilespmem:$0x7B00] =	vst v63  }
0xd2: {  	_ = 	snop  }
0xd3: {  	[spmem:s5] =	stream.indirect.scatter [tilespmem:s24], [sflag:$0x1], $0x1, s31, s29, $0xb8;
	[tilespmem:$0x7B00] =	vst v63  }
0xd4: {  	_ = 	snop  }
0xd5: {  	[spmem:s3] =	stream.indirect.scatter [tilespmem:s24], [sflag:$0x1], $0x1, s1, s29, $0xb8;
	[tilespmem:$0x7B00] =	vst v63  }
0xd6: {  	_ = 	snop  }
0xd7: {  	[spmem:s5] =	stream.indirect.scatter [tilespmem:s24], [sflag:$0x1], $0x1, s15, s29, $0xb8;
	[tilespmem:$0x7B00] =	vst v63  }
0xd8: {  	_ =	swait.ge [sflag:s16], $0x80  }
0xd9: {  	[sflag:s16] =	ssyncset.done $0x0  }
0xda: {  	[sflag:s16] =	ssyncadd.s32 $0xFFFFFF80  }
0xdb: {  	_ =	swait.ge [sflag:s16], $0x80  }
0xdc: {  	s4 =	simm.s32 $0x17;
	[sflag:s16] =	ssyncset.done $0x0  }
.LBB2_8:
0xdd: {  	p2 =	sne.s32 s4, $0x1;
	s4 =	sadd.s32 $0xFFFFFFFF, s4;
	[sflag:s16] =	ssyncadd.s32 $0xFFFFFF80  }
.Ltmp7:
0xde: {  	_ =	swait.ge [sflag:s16], $0x80;
	(pc) =	sbr.rel @p2 .LBB2_8-.Ltmp7, $4  }
0xdf: {  	[sflag:s16] =	ssyncset.done $0x0  }
0xe0: {  	[sflag:s16] =	ssyncadd.s32 $0xFFFFFF80  }
0xe1: {  	_ =	swait.ge [sflag:s16], $0x80  }
0xe2: {  	[sflag:s16] =	ssyncset.done $0x0  }
.Ltmp8:
0xe3: {  	(pc) =	sbr.rel .LBB2_10-.Ltmp8, $2  }
0xe4: {  	_ =	sdelay $0x2  }
0xe5: {  	[sflag:s16] =	ssyncadd.s32 $0xFFFFFF80  }
.LBB2_11:
0xe6: {  	s4 =	simm.s32 @!p1 $0x0  }
0xe7: {  	s19 =	simm.s32 @!p1 $0x1880;
	s8 =	rddreg [dreg:$0xc];
	s20 =	simm.s32 @!p1 $0x2  }
0xe8: {  	[tilespmem:s19], [sflag:$0x2] =	stream.linear.gather @!p1 [hbm4b:s8+s4], $0x80, $0x38;
	[tilespmem:$0x7B00] =	vst v63  }
0xe9: {  	_ =	swait.ge @!p1 [sflag:s20], $0x80  }
0xea: {  	[sflag:s20] =	ssyncset.done @!p1 $0x0  }
0xeb: {  	s8 =	simm.s32 @!p1 $0x2480;
	s13 =	rddreg [dreg:$0xd];
	[sflag:s20] =	ssyncadd.s32 @!p1 $0xFFFFFF80  }
0xec: {  	[tilespmem:s8], [sflag:$0x2] =	stream.linear.gather @!p1 [hbm4b:s13+s4], $0x80, $0x38;
	[tilespmem:$0x7B00] =	vst v63  }
0xed: {  	_ =	swait.ge @!p1 [sflag:s20], $0x80  }
0xee: {  	[sflag:s20] =	ssyncset.done @!p1 $0x0  }
0xef: {  	s4 =	simm.s32 @!p1 $0x80;
	s13 =	simm.s32 @!p1 $0x3100;
	[sflag:s20] =	ssyncadd.s32 @!p1 $0xFFFFFF80  }
0xf0: {  	[spmem:s3] =	stream.indirect.scatter @!p1 [tilespmem:s13], [sflag:$0x2], $0x1, s19, s4, $0xb8;
	[tilespmem:$0x7B00] =	vst v63  }
0xf1: {  	_ =	swait.ge @!p1 [sflag:s20], $0x80  }
0xf2: {  	[sflag:s20] =	ssyncset.done @!p1 $0x0  }
.Ltmp9:
0xf3: {  	[sflag:s20] =	ssyncadd.s32 @!p1 $0xFFFFFF80;
	(pc) =	sbr.rel @p0 .LBB2_17-.Ltmp9, $4  }
0xf4: {  	[spmem:s5] =	stream.indirect.scatter @!p1 [tilespmem:s13], [sflag:$0x2], $0x1, s8, s4, $0xb8;
	[tilespmem:$0x7B00] =	vst v63  }
0xf5: {  	_ =	swait.ge @!p1 [sflag:s20], $0x80  }
0xf6: {  	[sflag:s20] =	ssyncset.done @!p1 $0x0  }
0xf7: {  	[sflag:s20] =	ssyncadd.s32 @!p1 $0xFFFFFF80  }
0xf8: {  	s8 =	rddreg [dreg:$0x16]  }
0xf9: {  	[tilespmem:s26], [sflag:$0x2] =	stream.linear.gather [hbm4b:s8+s7], $0x80, $0x38;
	[tilespmem:$0x7B00] =	vst v63  }
0xfa: {  	_ =	swait.ge [sflag:s25], $0x80  }
0xfb: {  	[sflag:s25] =	ssyncset.done $0x0  }
0xfc: {  	s20 =	rddreg [dreg:$0x15];
	[sflag:s25] =	ssyncadd.s32 $0xFFFFFF80  }
0xfd: {  	[tilespmem:s18], [sflag:$0x2] =	stream.linear.gather [hbm4b:s20+s7], $0x80, $0x38;
	[tilespmem:$0x7B00] =	vst v63  }
0xfe: {  	_ =	swait.ge [sflag:s25], $0x80  }
0xff: {  	s4 =	rddreg [dreg:$0x10]  }
0x100: {  	p2 =	seq.s32 s4, $0x1  }
.Ltmp10:
0x101: {  	[sflag:s25] =	ssyncset.done $0x0;
	(pc) =	sbr.rel @p2 .LBB2_14-.Ltmp10, $4  }
0x102: {  	[sflag:s25] =	ssyncadd.s32 $0xFFFFFF80  }
0x103: {  	[spmem:s6] =	stream.indirect.scatter [tilespmem:s18], [sflag:$0x2], $0x1, s26, s29, $0xb8;
	[tilespmem:$0x7B00] =	vst v63  }
0x104: {  	_ =	swait.ge [sflag:s25], $0x80  }
0x105: {  	s19 =	sadd.s32 $0xFFFFFFFF, s4;
	s4 =	smov.u32 s8;
	[sflag:s25] =	ssyncset.done $0x0  }
.LBB2_13:
0x106: {  	[sflag:s25] =	ssyncadd.s32 $0xFFFFFF80;
	s20 =	sadd.s32 $0x10, s20;
	s4 =	sadd.s32 $0x10, s4  }
0x107: {  	[tilespmem:s26], [sflag:$0x2] =	stream.linear.gather [hbm4b:s4+s7], $0x80, $0x38;
	[tilespmem:$0x7B00] =	vst v63  }
0x108: {  	p2 =	seq.s32 s19, $0x1;
	s19 =	sadd.s32 $0xFFFFFFFF, s19;
	_ =	swait.ge [sflag:s25], $0x80  }
0x109: {  	[sflag:s25] =	ssyncset.done $0x0  }
0x10a: {  	[sflag:s25] =	ssyncadd.s32 $0xFFFFFF80  }
0x10b: {  	[tilespmem:s18], [sflag:$0x2] =	stream.linear.gather [hbm4b:s20+s7], $0x80, $0x38;
	[tilespmem:$0x7B00] =	vst v63  }
0x10c: {  	_ =	swait.ge [sflag:s25], $0x80  }
.Ltmp11:
0x10d: {  	[sflag:s25] =	ssyncset.done $0x0;
	(pc) =	sbr.rel @!p2 .LBB2_13-.Ltmp11, $4  }
0x10e: {  	[sflag:s25] =	ssyncadd.s32 $0xFFFFFF80  }
0x10f: {  	[spmem:s6] =	stream.indirect.scatter [tilespmem:s18], [sflag:$0x2], $0x1, s26, s29, $0xb8;
	[tilespmem:$0x7B00] =	vst v63  }
0x110: {  	_ =	swait.ge [sflag:s25], $0x80  }
0x111: {  	[sflag:s25] =	ssyncset.done $0x0  }
.LBB2_14:
0x112: {  	[sflag:s25] =	ssyncadd.s32 $0xFFFFFF80  }
0x113: {  	s4 =	stileid.u32;
	[bflag:$0x0] =	sbarrier.arrive $0xFFFF  }
0x114: {  	s4 =	sshll.u32 s4, $0x6;
	s20 =	rddreg [dreg:$0x9]  }
0x115: {  	s4 =	sor.u32 $0x1C02, s4;
	s13 =	rddreg [dreg:$0x11];
	s8 =	sshrl.u32 s20, $0x3  }
0x116: {  	[hbm:s13], [sflag:s4] =	dma.local [spmem:s8], $0x310  }
0x117: {  	_ =	swait.ge [sflag:s25], $0x310  }
0x118: {  	[sflag:s25] =	ssyncset.done $0x0;
	s13 =	rddreg [dreg:$0xa]  }
0x119: {  	s19 =	rddreg [dreg:$0x12];
	[sflag:s25] =	ssyncadd.s32 $0xFFFFFCF0;
	s8 =	sshrl.u32 s13, $0x3  }
0x11a: {  	[hbm:s19], [sflag:s4] =	dma.local [spmem:s8], $0x310  }
.Ltmp12:
0x11b: {  	_ =	swait.ge [sflag:s25], $0x310;
	(pc) =	sbr.rel .LBB2_15-.Ltmp12, $4  }
0x11c: {  	[sflag:s25] =	ssyncset.done $0x0;
	s13 =	rddreg [dreg:$0xb]  }
0x11d: {  	s19 =	rddreg [dreg:$0x13];
	[sflag:s25] =	ssyncadd.s32 $0xFFFFFCF0;
	s8 =	sshrl.u32 s13, $0x3  }
0x11e: {  	[hbm:s19], [sflag:s4] =	dma.local [spmem:s8], $0x310  }
0x11f: {  	s8 =	rddreg [dreg:$0x17]  }
.LBB2_16:
0x120: {  	_ =	sfence.sel $0x180000  }
0x121: {  	[bflag:$0x0] =	sbarrier.arrive $0xFFFF  }
0x122: {  	_ =	strace $0x90000047  }
0x123: {  	s0 =	stileid.u32;
	[bflag:$0x2] =	sbarrier.arrive $0xFFFF  }
0x124: {  	p0 =	sne.s32 s0, $0x0;
	s0 =	rddreg [dreg:$0x7]  }
0x125: {  	s0 =	sadd.s32 @!p0 $0x100000, s0  }
0x126: {  	[sflag:s0] =	ssyncadd.tile.s32 @!p0 $0x1;
	_ =	shalt  }
.Lfunc_end2:
_tile_overlayer_lowered:
.L_overlay_start_2:
0x127: {  	(tag) =	ssettag $0x2  }
0x128: {  	s0 =	rddreg [dreg:$0x0];
	s2 =	stileid.u32  }
0x129: {  	s1 =	rddreg [dreg:$0x1];
	p0 =	sne.s32 s2, $0x0  }
0x12a: {  	s3 =	rddreg [dreg:$0x2];
	[bflag:$0x3] =	sbarrier.arrive $0xFFFF;
	s2 =	simm.s32 @!p0 $0x1C02  }
0x12b: {  	[timem:s3], [sflag:s2] =	dma.local @!p0 [hbm:s0], s1  }
0x12c: {  	s0 =	simm.s32 @!p0 $0x2  }
0x12d: {  	_ =	swait.ge @!p0 [sflag:s0], s1  }
0x12e: {  	s1 =	ssub.s32 @!p0 $0x0, s1;
	[sflag:s0] =	ssyncset.done @!p0 $0x0  }
0x12f: {  	[sflag:s0] =	ssyncadd.s32 @!p0 s1  }
0x130: {  	[bflag:$0x3] =	sbarrier.arrive $0xFFFF  }
0x131: {  	_ =	shalt  }

</sc_bundles>
